<compile_context>
chip_gen: v7x
topology: tpu7x:2x2x1
jax: 0.10.2.dev20260603
libtpu: 0.0.44.dev20260713+nightly
codegen_flags: <defaults>
</compile_context>

<pallas_src>
import functools

import jax
import jax.numpy as jnp
from jax import lax
from jax.experimental import pallas as pl
from jax.experimental.pallas import tpu as pltpu
from jax.experimental.pallas import tpu_sc as plsc

D_M = 64
KNN = 16
N = 2048
R = 256
RS = 64
NW = 32
BSC = 1


def _tc_fused_kernel(xyzt_ref, hilo_ref, q_ref, x_ref, w1t_ref, b1_ref,
                     w2t_ref, b2_ref, out_ref):
    n = xyzt_ref.shape[2]
    ptst = xyzt_ref[0]
    hilo = hilo_ref[0]
    q = q_ref[0]

    d = None
    for c in range(3):
        t = (q[:, c:c + 1] - ptst[c:c + 1, :]) ** 2
        d = t if d is None else d + t

    inf = jnp.float32(jnp.inf)
    d0 = d
    ms = []
    for _ in range(KNN):
        m = jnp.min(d, axis=1, keepdims=True)
        d = jnp.where(d == m, inf, d)
        ms.append(m)

    deltas = []
    for k in range(KNN):
        sel = (d0 == ms[k]).astype(jnp.bfloat16)
        g2 = jnp.dot(sel, hilo, preferred_element_type=jnp.float32)
        deltas.append(q - (g2[:, :8] + g2[:, 8:]))
    delta = jnp.concatenate(deltas, axis=0)

    h = jnp.maximum(
        jnp.dot(delta, w1t_ref[...], preferred_element_type=jnp.float32)
        + b1_ref[...], 0.0)
    pe = (jnp.dot(h, w2t_ref[...], preferred_element_type=jnp.float32)
          + b2_ref[...])
    out_ref[0] = x_ref[0] + pe.reshape(KNN, R, D_M)


def _dist_kernel(xyzt_ref, q_ref, out_ref):
    q = q_ref[0]
    ptst = xyzt_ref[0]
    d = None
    for c in range(3):
        t = (q[:, c:c + 1] - ptst[c:c + 1, :]) ** 2
        d = t if d is None else d + t
    out_ref[0] = d


def _sc_knn_body(d_hbm, xyzt_hbm, out_hbm, xs_v, drow0_v, drow1_v, cand_v,
                 ob_v, sem, sem0, sem1):
    nc2 = 2
    wid = lax.axis_index("s") * nc2 + lax.axis_index("c")
    nblk = N // RS
    b = wid // nblk
    blk = wid % nblk

    pltpu.async_copy(xyzt_hbm.at[b], xs_v, sem).wait()

    lanes = lax.iota(jnp.int32, 16)
    inf = jnp.float32(jnp.inf)

    def process(ri, drow_v):
        row = blk * RS + ri

        def p1(c, carry):
            return jnp.minimum(carry, drow_v[pl.ds(c * 16, 16)])
        mval = lax.fori_loop(0, N // 16, p1, jnp.full((16,), inf),
                             unroll=8)
        tau = jnp.broadcast_to(jnp.max(mval), (16,))

        def p2(c, ptr):
            v = drow_v[pl.ds(c * 16, 16)]
            mask = v <= tau
            pos = plsc.cumsum(mask.astype(jnp.int32))
            addr = ptr + pos - 1
            plsc.store_scatter(cand_v, [addr], c * 16 + lanes, mask=mask)
            return ptr + plsc.all_reduce_population_count(mask)
        ptr = lax.fori_loop(0, N // 16, p2, jnp.zeros((16,), jnp.int32),
                            unroll=4)
        ncand = jnp.max(ptr)
        nchunk = (ncand + 15) // 16

        def p3(c, carry):
            top_d, top_i = carry
            mask = (c * 16 + lanes) < ptr
            idxs = cand_v[pl.ds(c * 16, 16)]
            dv = plsc.load_gather(drow_v, [idxs], mask=mask)
            dv = jnp.where(mask, dv, inf)
            sk, sv = plsc.sort_key_val(dv, idxs)
            rk = lax.rev(sk, (0,))
            rv = lax.rev(sv, (0,))
            keep = top_d <= rk
            nd = jnp.where(keep, top_d, rk)
            ni = jnp.where(keep, top_i, rv)
            nk, nv = plsc.sort_key_val(nd, ni)
            return (nk, nv)
        top_d, top_i = lax.fori_loop(
            0, nchunk, p3,
            (jnp.full((16,), inf), jnp.zeros((16,), jnp.int32)))

        rsplat = jnp.broadcast_to(row, (16,))
        base = lanes * (RS * 4) + ri * 4
        for c in range(3):
            csplat = jnp.full((16,), c, jnp.int32)
            qc = plsc.load_gather(xs_v, [csplat, rsplat])
            nb = plsc.load_gather(xs_v, [csplat, top_i])
            plsc.store_scatter(ob_v, [base + c], qc - nb)
        plsc.store_scatter(ob_v, [base + 3], jnp.zeros((16,), jnp.float32))

    pltpu.async_copy(d_hbm.at[b, blk * RS], drow0_v, sem0)
    pltpu.async_copy(d_hbm.at[b, blk * RS + 1], drow1_v, sem1)

    def pair_body(i2, _):
        for phase, (buf, sm) in enumerate(((drow0_v, sem0),
                                           (drow1_v, sem1))):
            ri = i2 * 2 + phase
            pltpu.make_async_copy(d_hbm.at[b, 0], buf, sm).wait()
            process(ri, buf)
            nxt = jnp.minimum(blk * RS + ri + 2, N - 1)
            pltpu.async_copy(d_hbm.at[b, nxt], buf, sm)
        return 0

    lax.fori_loop(0, RS // 2, pair_body, 0)
    pltpu.make_async_copy(d_hbm.at[b, 0], drow0_v, sem0).wait()
    pltpu.make_async_copy(d_hbm.at[b, 0], drow1_v, sem1).wait()
    pltpu.async_copy(ob_v, out_hbm.at[wid], sem).wait()


def _mlp_kernel(delta_ref, x_ref, w1t_ref, b1_ref, w2t_ref, b2_ref, out_ref):
    delta = delta_ref[0].reshape(KNN * RS, 4)
    h = jnp.maximum(
        jnp.dot(delta, w1t_ref[...], preferred_element_type=jnp.float32)
        + b1_ref[...], 0.0)
    pe = (jnp.dot(h, w2t_ref[...], preferred_element_type=jnp.float32)
          + b2_ref[...])
    out_ref[0] = x_ref[0] + pe.reshape(KNN, RS, D_M)


@jax.jit
def kernel(xyz, x, W1, b1, W2, b2):
    B = xyz.shape[0]
    btc = B - BSC
    pts = jnp.concatenate(
        [xyz, jnp.zeros((B, N, 5), dtype=xyz.dtype)], axis=-1)
    ptst = jnp.transpose(pts, (0, 2, 1))
    hi = pts.astype(jnp.bfloat16)
    lo = (pts - hi.astype(jnp.float32)).astype(jnp.bfloat16)
    hilo = jnp.concatenate([hi, lo], axis=-1)
    w1t8 = jnp.concatenate(
        [W1.T, jnp.zeros((5, D_M), dtype=W1.dtype)], axis=0)
    w1t4 = w1t8[:4]
    b1r = b1.reshape(1, D_M)
    b2r = b2.reshape(1, D_M)
    w2t = W2.T

    out_tc = pl.pallas_call(
        _tc_fused_kernel,
        grid=(btc, N // R),
        in_specs=[
            pl.BlockSpec((1, 8, N), lambda b_, i: (b_, 0, 0)),
            pl.BlockSpec((1, N, 16), lambda b_, i: (b_, 0, 0)),
            pl.BlockSpec((1, R, 8), lambda b_, i: (b_, i, 0)),
            pl.BlockSpec((1, KNN, R, D_M), lambda b_, i: (b_, 0, i, 0)),
            pl.BlockSpec((8, D_M), lambda b_, i: (0, 0)),
            pl.BlockSpec((1, D_M), lambda b_, i: (0, 0)),
            pl.BlockSpec((D_M, D_M), lambda b_, i: (0, 0)),
            pl.BlockSpec((1, D_M), lambda b_, i: (0, 0)),
        ],
        out_specs=pl.BlockSpec((1, KNN, R, D_M), lambda b_, i: (b_, 0, i, 0)),
        out_shape=jax.ShapeDtypeStruct((btc, KNN, N, D_M), x.dtype),
    )(ptst[:btc], hilo[:btc], pts[:btc], x[:btc], w1t8, b1r, w2t, b2r)

    dists = pl.pallas_call(
        _dist_kernel,
        grid=(BSC, N // R),
        in_specs=[
            pl.BlockSpec((1, 8, N), lambda b_, i: (b_, 0, 0)),
            pl.BlockSpec((1, R, 8), lambda b_, i: (b_, i, 0)),
        ],
        out_specs=pl.BlockSpec((1, R, N), lambda b_, i: (b_, i, 0)),
        out_shape=jax.ShapeDtypeStruct((BSC, N, N), jnp.float32),
    )(ptst[btc:], pts[btc:])

    mesh = plsc.VectorSubcoreMesh(core_axis_name="c", subcore_axis_name="s")
    sc_knn = functools.partial(
        pl.kernel,
        mesh=mesh,
        out_type=pltpu.HBM((NW, KNN * RS * 4), jnp.float32),
        scratch_types=[
            pltpu.VMEM((3, N), jnp.float32),
            pltpu.VMEM((N,), jnp.float32),
            pltpu.VMEM((N,), jnp.float32),
            pltpu.VMEM((N,), jnp.int32),
            pltpu.VMEM((KNN * RS * 4,), jnp.float32),
            pltpu.SemaphoreType.DMA,
            pltpu.SemaphoreType.DMA,
            pltpu.SemaphoreType.DMA,
        ],
        compiler_params=pltpu.CompilerParams(needs_layout_passes=False),
    )(_sc_knn_body)
    delta = sc_knn(dists, ptst[btc:, :3, :]).reshape(NW, KNN, RS, 4)

    nblk = N // RS
    out_sc = pl.pallas_call(
        _mlp_kernel,
        grid=(NW,),
        in_specs=[
            pl.BlockSpec((1, KNN, RS, 4), lambda w: (w, 0, 0, 0)),
            pl.BlockSpec((1, KNN, RS, D_M),
                         lambda w: (w // nblk, 0, w % nblk, 0)),
            pl.BlockSpec((4, D_M), lambda w: (0, 0)),
            pl.BlockSpec((1, D_M), lambda w: (0, 0)),
            pl.BlockSpec((D_M, D_M), lambda w: (0, 0)),
            pl.BlockSpec((1, D_M), lambda w: (0, 0)),
        ],
        out_specs=pl.BlockSpec((1, KNN, RS, D_M),
                               lambda w: (w // nblk, 0, w % nblk, 0)),
        out_shape=jax.ShapeDtypeStruct((BSC, KNN, N, D_M), x.dtype),
    )(delta, x[btc:], w1t4, b1r, w2t, b2r)

    return jnp.concatenate([out_tc, out_sc], axis=0)

# --- scband reference (transcript-rebuilt; emitter-appended) ---
"""Pipeline reference for scband-learned-positional-encoding-52974126628930 (READ-ONLY COPY).

The authoritative reference and input builder live on the scoring server;
editing this copy changes nothing except your own understanding.
"""

import jax, jax.numpy as jnp
import numpy as np

D_MODEL = 64
K = 16


def setup_inputs(seed: int = 0) -> dict:
    key = jax.random.key(seed)
    k1, k2, k3, k4 = jax.random.split(key, 4)
    B, N = 4, 2048
    xyz = jax.random.normal(k1, (B, N, 3), dtype=jnp.float32)
    x = jax.random.normal(k2, (B, K, N, D_MODEL), dtype=jnp.float32)
    W1 = jax.random.normal(k3, (D_MODEL, 3), dtype=jnp.float32) * (1.0 / np.sqrt(3.0))
    b1 = jnp.zeros((D_MODEL,), dtype=jnp.float32)
    W2 = jax.random.normal(k4, (D_MODEL, D_MODEL), dtype=jnp.float32) * (1.0 / np.sqrt(D_MODEL))
    b2 = jnp.zeros((D_MODEL,), dtype=jnp.float32)
    return {"xyz": xyz, "x": x, "W1": W1, "b1": b1, "W2": W2, "b2": b2}


def _index_points(points, idx):
    # points: [B, N, C], idx: [B, S, K] -> [B, S, K, C] (batched gather, like torch.gather version)
    return jax.vmap(lambda pts, i: pts[i])(points, idx)


def reference(xyz, x, W1, b1, W2, b2):
    # square_distance: [B, N, N]
    dists = jnp.sum((xyz[:, :, None, :] - xyz[:, None, :, :]) ** 2, axis=-1)
    # kNN indices: [B, N, K]
    knn_idx = jnp.argsort(dists, axis=-1)[:, :, :K]
    # gather knn coordinates: [B, N, K, 3]
    knn_xyz = _index_points(xyz, knn_idx)
    # relative position deltas: [B, N, K, 3]
    delta = xyz[:, :, None, :] - knn_xyz
    # fc_delta: Linear(3, d_model) -> ReLU -> Linear(d_model, d_model)
    h = jax.nn.relu(delta @ W1.T + b1)
    pos_enc = h @ W2.T + b2  # [B, N, K, d_model]
    # torch code calls pos_enc.permute(0, 2, 1) on a 4D tensor (a bug); the faithful
    # runnable interpretation is permute(0, 2, 1, 3): [B, K, N, d_model]
    return x + jnp.transpose(pos_enc, (0, 2, 1, 3))

if __name__ == "__main__":
    import jax
    _d = setup_inputs()
    print(jax.jit(kernel)(*tuple(_d.values())))

</pallas_src>

<mosaic_0001>
#map = affine_map<(d0, d1) -> (0, 0, 0)>
#map1 = affine_map<(d0, d1) -> (0, 0)>
module attributes {stable_mosaic.version = 14 : i64} {
  func.func @_sc_knn_body(%arg0: i32, %arg1: i32, %arg2: memref<1x2048x2048xf32, #tpu.memory_space<hbm>>, %arg3: memref<1x3x2048xf32, #tpu.memory_space<hbm>>, %arg4: memref<32x4096xf32, #tpu.memory_space<hbm>>, %arg5: memref<3x2048xf32, #tpu.memory_space<vmem>>, %arg6: memref<2048xf32, #tpu.memory_space<vmem>>, %arg7: memref<2048xf32, #tpu.memory_space<vmem>>, %arg8: memref<2048xi32, #tpu.memory_space<vmem>>, %arg9: memref<4096xf32, #tpu.memory_space<vmem>>, %arg10: memref<!tpu.dma_semaphore, #tpu.memory_space<semaphore_mem>>, %arg11: memref<!tpu.dma_semaphore, #tpu.memory_space<semaphore_mem>>, %arg12: memref<!tpu.dma_semaphore, #tpu.memory_space<semaphore_mem>>) attributes {dimension_semantics = [#tpu.dimension_semantics<core_parallel>, #tpu.dimension_semantics<subcore_parallel>], iteration_bounds = array<i64: 2, 16>, scalar_prefetch = 0 : i64, scratch_operands = 8 : i64, tpu.core_type = #tpu.core_type<sc_vector_subcore>, window_params = [{transform_indices = #map}, {transform_indices = #map}, {transform_indices = #map1}]} {
    %mul3A = arith.constant 2 : i32
    %mul3A_0 = arith.muli %arg1, %mul3A : i32
    %add3A = arith.addi %mul3A_0, %arg0 : i32
    %jit3A = arith.constant 32 : i32
    %div3A = arith.divsi %add3A, %jit3A : i32
    %sign3A = arith.constant 0 : i32
    %sign3A_1 = arith.cmpi sgt, %add3A, %sign3A : i32
    %sign3A_2 = arith.extui %sign3A_1 : i1 to i32
    %sign3A_3 = arith.constant 0 : i32
    %sign3A_4 = arith.cmpi slt, %add3A, %sign3A_3 : i32
    %sign3A_5 = arith.extui %sign3A_4 : i1 to i32
    %sign3A_6 = arith.subi %sign3A_2, %sign3A_5 : i32
    %sign3A_7 = arith.constant 0 : i32
    %sign3A_8 = arith.cmpi sgt, %jit3A, %sign3A_7 : i32
    %sign3A_9 = arith.extui %sign3A_8 : i1 to i32
    %sign3A_10 = arith.constant 0 : i32
    %sign3A_11 = arith.cmpi slt, %jit3A, %sign3A_10 : i32
    %sign3A_12 = arith.extui %sign3A_11 : i1 to i32
    %sign3A_13 = arith.subi %sign3A_9, %sign3A_12 : i32
    %ne3A = arith.cmpi ne, %sign3A_6, %sign3A_13 : i32
    %rem3A = arith.remsi %add3A, %jit3A : i32
    %ne3A_14 = arith.constant 0 : i32
    %ne3A_15 = arith.cmpi ne, %rem3A, %ne3A_14 : i32
    %and3A = arith.andi %ne3A, %ne3A_15 : i1
    %sub3A = arith.constant 1 : i32
    %sub3A_16 = arith.subi %div3A, %sub3A : i32
    %select_n3A = arith.select %and3A, %sub3A_16, %div3A : i32
    %jit3A_17 = arith.constant 32 : i32
    %eq3A = arith.constant 0 : i32
    %eq3A_18 = arith.cmpi eq, %jit3A_17, %eq3A : i32
    %jit3A_19 = arith.constant 1 : i32
    %select_n3A_20 = arith.select %eq3A_18, %jit3A_19, %jit3A_17 : i32
    %rem3A_21 = arith.remsi %add3A, %select_n3A_20 : i32
    %ne3A_22 = arith.constant 0 : i32
    %ne3A_23 = arith.cmpi ne, %rem3A_21, %ne3A_22 : i32
    %lt3A = arith.constant 0 : i32
    %lt3A_24 = arith.cmpi slt, %rem3A_21, %lt3A : i32
    %lt3A_25 = arith.constant 0 : i32
    %lt3A_26 = arith.cmpi slt, %select_n3A_20, %lt3A_25 : i32
    %ne3A_27 = arith.xori %lt3A_24, %lt3A_26 : i1
    %and3A_28 = arith.andi %ne3A_27, %ne3A_23 : i1
    %add3A_29 = arith.addi %rem3A_21, %select_n3A_20 : i32
    %select_n3A_30 = arith.select %and3A_28, %add3A_29, %rem3A_21 : i32
    %dma_start3A = arith.constant 0 : i32
    %dma_start3A_31 = arith.constant 0 : i32
    %dma_start3A_32 = tpu.memref_slice %arg3[%select_n3A, %dma_start3A, %dma_start3A_31] : memref<1x3x2048xf32, #tpu.memory_space<hbm>> -> memref<1x3x2048xf32, #tpu.memory_space<hbm>>
    %dma_start3A_33 = tpu.memref_squeeze %dma_start3A_32 : memref<1x3x2048xf32, #tpu.memory_space<hbm>> -> memref<3x2048xf32, #tpu.memory_space<hbm>>
    %dma_start3A_34 = arith.constant 0 : i32
    %dma_start3A_35 = arith.constant 0 : i32
    %dma_start3A_36 = tpu.memref_slice %arg3[%select_n3A, %dma_start3A_34, %dma_start3A_35] : memref<1x3x2048xf32, #tpu.memory_space<hbm>> -> memref<1x3x2048xf32, #tpu.memory_space<hbm>>
    %dma_start3A_37 = tpu.memref_squeeze %dma_start3A_36 : memref<1x3x2048xf32, #tpu.memory_space<hbm>> -> memref<3x2048xf32, #tpu.memory_space<hbm>>
    tpu.enqueue_dma source(%dma_start3A_37 : memref<3x2048xf32, #tpu.memory_space<hbm>>) target(%arg5 : memref<3x2048xf32, #tpu.memory_space<vmem>>) target_semaphore(%arg10 : memref<!tpu.dma_semaphore, #tpu.memory_space<semaphore_mem>>)
    %dma_wait3A = arith.constant 0 : i32
    %dma_wait3A_38 = arith.constant 0 : i32
    %dma_wait3A_39 = tpu.memref_slice %arg3[%select_n3A, %dma_wait3A, %dma_wait3A_38] : memref<1x3x2048xf32, #tpu.memory_space<hbm>> -> memref<1x3x2048xf32, #tpu.memory_space<hbm>>
    %dma_wait3A_40 = tpu.memref_squeeze %dma_wait3A_39 : memref<1x3x2048xf32, #tpu.memory_space<hbm>> -> memref<3x2048xf32, #tpu.memory_space<hbm>>
    %dma_wait3A_41 = arith.constant 0 : i32
    %dma_wait3A_42 = arith.constant 0 : i32
    %dma_wait3A_43 = tpu.memref_slice %arg3[%select_n3A, %dma_wait3A_41, %dma_wait3A_42] : memref<1x3x2048xf32, #tpu.memory_space<hbm>> -> memref<1x3x2048xf32, #tpu.memory_space<hbm>>
    %dma_wait3A_44 = tpu.memref_squeeze %dma_wait3A_43 : memref<1x3x2048xf32, #tpu.memory_space<hbm>> -> memref<3x2048xf32, #tpu.memory_space<hbm>>
    tpu.wait_dma2 semaphore(%arg10 : memref<!tpu.dma_semaphore, #tpu.memory_space<semaphore_mem>>) src(%dma_wait3A_44 : memref<3x2048xf32, #tpu.memory_space<hbm>>) dst(%arg5 : memref<3x2048xf32, #tpu.memory_space<vmem>>)
    %iota3A = tpu.iota {dimensions = array<i32: 0>} : vector<16xi32>
    %mul3A_45 = arith.constant 64 : i32
    %mul3A_46 = arith.muli %select_n3A_30, %mul3A_45 : i32
    %dma_start3A_47 = arith.constant 0 : i32
    %dma_start3A_48 = tpu.memref_slice %arg2[%select_n3A, %mul3A_46, %dma_start3A_47] : memref<1x2048x2048xf32, #tpu.memory_space<hbm>> -> memref<1x1x2048xf32, #tpu.memory_space<hbm>>
    %dma_start3A_49 = tpu.memref_squeeze %dma_start3A_48 : memref<1x1x2048xf32, #tpu.memory_space<hbm>> -> memref<2048xf32, #tpu.memory_space<hbm>>
    %dma_start3A_50 = arith.constant 0 : i32
    %dma_start3A_51 = tpu.memref_slice %arg2[%select_n3A, %mul3A_46, %dma_start3A_50] : memref<1x2048x2048xf32, #tpu.memory_space<hbm>> -> memref<1x1x2048xf32, #tpu.memory_space<hbm>>
    %dma_start3A_52 = tpu.memref_squeeze %dma_start3A_51 : memref<1x1x2048xf32, #tpu.memory_space<hbm>> -> memref<2048xf32, #tpu.memory_space<hbm>>
    tpu.enqueue_dma source(%dma_start3A_52 : memref<2048xf32, #tpu.memory_space<hbm>>) target(%arg6 : memref<2048xf32, #tpu.memory_space<vmem>>) target_semaphore(%arg11 : memref<!tpu.dma_semaphore, #tpu.memory_space<semaphore_mem>>)
    %mul3A_53 = arith.constant 64 : i32
    %mul3A_54 = arith.muli %select_n3A_30, %mul3A_53 : i32
    %add3A_55 = arith.constant 1 : i32
    %add3A_56 = arith.addi %mul3A_54, %add3A_55 : i32
    %dma_start3A_57 = arith.constant 0 : i32
    %dma_start3A_58 = tpu.memref_slice %arg2[%select_n3A, %add3A_56, %dma_start3A_57] : memref<1x2048x2048xf32, #tpu.memory_space<hbm>> -> memref<1x1x2048xf32, #tpu.memory_space<hbm>>
    %dma_start3A_59 = tpu.memref_squeeze %dma_start3A_58 : memref<1x1x2048xf32, #tpu.memory_space<hbm>> -> memref<2048xf32, #tpu.memory_space<hbm>>
    %dma_start3A_60 = arith.constant 0 : i32
    %dma_start3A_61 = tpu.memref_slice %arg2[%select_n3A, %add3A_56, %dma_start3A_60] : memref<1x2048x2048xf32, #tpu.memory_space<hbm>> -> memref<1x1x2048xf32, #tpu.memory_space<hbm>>
    %dma_start3A_62 = tpu.memref_squeeze %dma_start3A_61 : memref<1x1x2048xf32, #tpu.memory_space<hbm>> -> memref<2048xf32, #tpu.memory_space<hbm>>
    tpu.enqueue_dma source(%dma_start3A_62 : memref<2048xf32, #tpu.memory_space<hbm>>) target(%arg7 : memref<2048xf32, #tpu.memory_space<vmem>>) target_semaphore(%arg12 : memref<!tpu.dma_semaphore, #tpu.memory_space<semaphore_mem>>)
    %scan3A = arith.constant 0x7F800000 : f32
    %scan3A_63 = arith.constant 0 : i32
    %scan3A_64 = arith.constant 0 : i32
    %scan3A_65 = arith.constant 32 : i32
    %scan3A_66 = arith.addi %scan3A_64, %scan3A_65 : i32
    %scan3A_67 = arith.constant 1 : i32
    %scan3A_68 = scf.for %scan3A_96 = %scan3A_64 to %scan3A_66 step %scan3A_67 iter_args(%scan3A_97 = %scan3A_63) -> (i32)  : i32 {
      %mul3A_98 = arith.constant 2 : i32
      %mul3A_99 = arith.muli %scan3A_96, %mul3A_98 : i32
      %add3A_100 = arith.constant 0 : i32
      %add3A_101 = arith.addi %mul3A_99, %add3A_100 : i32
      %dma_wait3A_102 = arith.constant 0 : i32
      %dma_wait3A_103 = arith.constant 0 : i32
      %dma_wait3A_104 = tpu.memref_slice %arg2[%select_n3A, %dma_wait3A_102, %dma_wait3A_103] : memref<1x2048x2048xf32, #tpu.memory_space<hbm>> -> memref<1x1x2048xf32, #tpu.memory_space<hbm>>
      %dma_wait3A_105 = tpu.memref_squeeze %dma_wait3A_104 : memref<1x1x2048xf32, #tpu.memory_space<hbm>> -> memref<2048xf32, #tpu.memory_space<hbm>>
      %dma_wait3A_106 = arith.constant 0 : i32
      %dma_wait3A_107 = tpu.memref_slice %arg2[%select_n3A, %dma_wait3A_102, %dma_wait3A_106] : memref<1x2048x2048xf32, #tpu.memory_space<hbm>> -> memref<1x1x2048xf32, #tpu.memory_space<hbm>>
      %dma_wait3A_108 = tpu.memref_squeeze %dma_wait3A_107 : memref<1x1x2048xf32, #tpu.memory_space<hbm>> -> memref<2048xf32, #tpu.memory_space<hbm>>
      tpu.wait_dma2 semaphore(%arg11 : memref<!tpu.dma_semaphore, #tpu.memory_space<semaphore_mem>>) src(%dma_wait3A_108 : memref<2048xf32, #tpu.memory_space<hbm>>) dst(%arg6 : memref<2048xf32, #tpu.memory_space<vmem>>)
      %mul3A_109 = arith.constant 64 : i32
      %mul3A_110 = arith.muli %select_n3A_30, %mul3A_109 : i32
      %add3A_111 = arith.addi %mul3A_110, %add3A_101 : i32
      %broadcast_in_dim3A = vector.broadcast %scan3A : f32 to vector<16xf32>
      %scan3A_112 = arith.constant 0 : i32
      %scan3A_113 = arith.constant 128 : i32
      %scan3A_114 = arith.addi %scan3A_112, %scan3A_113 : i32
      %scan3A_115 = arith.constant 8 : i32
      %scan3A_116 = scf.for %scan3A_358 = %scan3A_112 to %scan3A_114 step %scan3A_115 iter_args(%scan3A_359 = %broadcast_in_dim3A) -> (vector<16xf32>)  : i32 {
        %mul3A_360 = arith.constant 16 : i32
        %mul3A_361 = arith.muli %scan3A_358, %mul3A_360 : i32
        %get3A = arith.index_cast %mul3A_361 : i32 to index
        %get3A_362 = tpu.vector_load %arg6[%get3A] {strides = array<i32>} : memref<2048xf32, #tpu.memory_space<vmem>>, vector<16xf32>,
        %min3A_363 = arith.minimumf %scan3A_359, %get3A_362 : vector<16xf32>
        %scan3A_364 = arith.constant 1 : i32
        %scan3A_365 = arith.addi %scan3A_358, %scan3A_364 : i32
        %mul3A_366 = arith.constant 16 : i32
        %mul3A_367 = arith.muli %scan3A_365, %mul3A_366 : i32
        %get3A_368 = arith.index_cast %mul3A_367 : i32 to index
        %get3A_369 = tpu.vector_load %arg6[%get3A_368] {strides = array<i32>} : memref<2048xf32, #tpu.memory_space<vmem>>, vector<16xf32>,
        %min3A_370 = arith.minimumf %min3A_363, %get3A_369 : vector<16xf32>
        %scan3A_371 = arith.constant 2 : i32
        %scan3A_372 = arith.addi %scan3A_358, %scan3A_371 : i32
        %mul3A_373 = arith.constant 16 : i32
        %mul3A_374 = arith.muli %scan3A_372, %mul3A_373 : i32
        %get3A_375 = arith.index_cast %mul3A_374 : i32 to index
        %get3A_376 = tpu.vector_load %arg6[%get3A_375] {strides = array<i32>} : memref<2048xf32, #tpu.memory_space<vmem>>, vector<16xf32>,
        %min3A_377 = arith.minimumf %min3A_370, %get3A_376 : vector<16xf32>
        %scan3A_378 = arith.constant 3 : i32
        %scan3A_379 = arith.addi %scan3A_358, %scan3A_378 : i32
        %mul3A_380 = arith.constant 16 : i32
        %mul3A_381 = arith.muli %scan3A_379, %mul3A_380 : i32
        %get3A_382 = arith.index_cast %mul3A_381 : i32 to index
        %get3A_383 = tpu.vector_load %arg6[%get3A_382] {strides = array<i32>} : memref<2048xf32, #tpu.memory_space<vmem>>, vector<16xf32>,
        %min3A_384 = arith.minimumf %min3A_377, %get3A_383 : vector<16xf32>
        %scan3A_385 = arith.constant 4 : i32
        %scan3A_386 = arith.addi %scan3A_358, %scan3A_385 : i32
        %mul3A_387 = arith.constant 16 : i32
        %mul3A_388 = arith.muli %scan3A_386, %mul3A_387 : i32
        %get3A_389 = arith.index_cast %mul3A_388 : i32 to index
        %get3A_390 = tpu.vector_load %arg6[%get3A_389] {strides = array<i32>} : memref<2048xf32, #tpu.memory_space<vmem>>, vector<16xf32>,
        %min3A_391 = arith.minimumf %min3A_384, %get3A_390 : vector<16xf32>
        %scan3A_392 = arith.constant 5 : i32
        %scan3A_393 = arith.addi %scan3A_358, %scan3A_392 : i32
        %mul3A_394 = arith.constant 16 : i32
        %mul3A_395 = arith.muli %scan3A_393, %mul3A_394 : i32
        %get3A_396 = arith.index_cast %mul3A_395 : i32 to index
        %get3A_397 = tpu.vector_load %arg6[%get3A_396] {strides = array<i32>} : memref<2048xf32, #tpu.memory_space<vmem>>, vector<16xf32>,
        %min3A_398 = arith.minimumf %min3A_391, %get3A_397 : vector<16xf32>
        %scan3A_399 = arith.constant 6 : i32
        %scan3A_400 = arith.addi %scan3A_358, %scan3A_399 : i32
        %mul3A_401 = arith.constant 16 : i32
        %mul3A_402 = arith.muli %scan3A_400, %mul3A_401 : i32
        %get3A_403 = arith.index_cast %mul3A_402 : i32 to index
        %get3A_404 = tpu.vector_load %arg6[%get3A_403] {strides = array<i32>} : memref<2048xf32, #tpu.memory_space<vmem>>, vector<16xf32>,
        %min3A_405 = arith.minimumf %min3A_398, %get3A_404 : vector<16xf32>
        %scan3A_406 = arith.constant 7 : i32
        %scan3A_407 = arith.addi %scan3A_358, %scan3A_406 : i32
        %mul3A_408 = arith.constant 16 : i32
        %mul3A_409 = arith.muli %scan3A_407, %mul3A_408 : i32
        %get3A_410 = arith.index_cast %mul3A_409 : i32 to index
        %get3A_411 = tpu.vector_load %arg6[%get3A_410] {strides = array<i32>} : memref<2048xf32, #tpu.memory_space<vmem>>, vector<16xf32>,
        %min3A_412 = arith.minimumf %min3A_405, %get3A_411 : vector<16xf32>
        scf.yield %min3A_412 : vector<16xf32>
      }
      %scan3A_117 = arith.constant 128 : i32
      %reduce_max3A = arith.constant true
      %reduce_max3A_118 = vector.broadcast %reduce_max3A : i1 to vector<16xi1>
      %reduce_max3A_119 = tpu.scan <max>, %scan3A_116 masked %reduce_max3A_118 : vector<16xf32>, vector<16xi1> -> vector<16xf32>
      %reduce_max3A_120 = vector.extract %reduce_max3A_119[15] : f32 from vector<16xf32>
      %broadcast_in_dim3A_121 = vector.broadcast %reduce_max3A_120 : f32 to vector<16xf32>
      %broadcast_in_dim3A_122 = arith.constant 0 : i32
      %broadcast_in_dim3A_123 = vector.broadcast %broadcast_in_dim3A_122 : i32 to vector<16xi32>
      %scan3A_124 = arith.constant 0 : i32
      %scan3A_125 = arith.constant 128 : i32
      %scan3A_126 = arith.addi %scan3A_124, %scan3A_125 : i32
      %scan3A_127 = arith.constant 4 : i32
      %scan3A_128 = scf.for %scan3A_358 = %scan3A_124 to %scan3A_126 step %scan3A_127 iter_args(%scan3A_359 = %broadcast_in_dim3A_123) -> (vector<16xi32>)  : i32 {
        %mul3A_360 = arith.constant 16 : i32
        %mul3A_361 = arith.muli %scan3A_358, %mul3A_360 : i32
        %get3A = arith.index_cast %mul3A_361 : i32 to index
        %get3A_362 = tpu.vector_load %arg6[%get3A] {strides = array<i32>} : memref<2048xf32, #tpu.memory_space<vmem>>, vector<16xf32>,
        %le3A = arith.cmpf ole, %get3A_362, %broadcast_in_dim3A_121 : vector<16xf32>
        %convert_element_type3A = arith.extui %le3A : vector<16xi1> to vector<16xi32>
        %broadcast_in_dim3A_363 = arith.constant true
        %broadcast_in_dim3A_364 = vector.broadcast %broadcast_in_dim3A_363 : i1 to vector<16xi1>
        %masked_cumsum3A = tpu.scan <sum>, %convert_element_type3A masked %broadcast_in_dim3A_364 : vector<16xi32>, vector<16xi1> -> vector<16xi32>
        %add3A_365 = arith.addi %scan3A_359, %masked_cumsum3A : vector<16xi32>
        %sub3A_366 = arith.constant 1 : i32
        %sub3A_367 = vector.broadcast %sub3A_366 : i32 to vector<16xi32>
        %sub3A_368 = arith.subi %add3A_365, %sub3A_367 : vector<16xi32>
        %mul3A_369 = arith.constant 16 : i32
        %mul3A_370 = arith.muli %scan3A_358, %mul3A_369 : i32
        %add3A_371 = vector.broadcast %mul3A_370 : i32 to vector<16xi32>
        %add3A_372 = arith.addi %add3A_371, %iota3A : vector<16xi32>
        tpu.vector_store_idx %arg8[%sub3A_368], %add3A_372 masked %le3A : memref<2048xi32, #tpu.memory_space<vmem>>[vector<16xi32>], vector<16xi32>, vector<16xi1>
        %all_reduce_population_count3A = tpu.all_reduce %le3A {dim = 0 : i64, kind = #tpu.reduction_kind<sum>} : vector<16xi1> -> vector<16xi32>
        %add3A_373 = arith.addi %scan3A_359, %all_reduce_population_count3A : vector<16xi32>
        %scan3A_374 = arith.constant 1 : i32
        %scan3A_375 = arith.addi %scan3A_358, %scan3A_374 : i32
        %mul3A_376 = arith.constant 16 : i32
        %mul3A_377 = arith.muli %scan3A_375, %mul3A_376 : i32
        %get3A_378 = arith.index_cast %mul3A_377 : i32 to index
        %get3A_379 = tpu.vector_load %arg6[%get3A_378] {strides = array<i32>} : memref<2048xf32, #tpu.memory_space<vmem>>, vector<16xf32>,
        %le3A_380 = arith.cmpf ole, %get3A_379, %broadcast_in_dim3A_121 : vector<16xf32>
        %convert_element_type3A_381 = arith.extui %le3A_380 : vector<16xi1> to vector<16xi32>
        %broadcast_in_dim3A_382 = arith.constant true
        %broadcast_in_dim3A_383 = vector.broadcast %broadcast_in_dim3A_382 : i1 to vector<16xi1>
        %masked_cumsum3A_384 = tpu.scan <sum>, %convert_element_type3A_381 masked %broadcast_in_dim3A_383 : vector<16xi32>, vector<16xi1> -> vector<16xi32>
        %add3A_385 = arith.addi %add3A_373, %masked_cumsum3A_384 : vector<16xi32>
        %sub3A_386 = arith.constant 1 : i32
        %sub3A_387 = vector.broadcast %sub3A_386 : i32 to vector<16xi32>
        %sub3A_388 = arith.subi %add3A_385, %sub3A_387 : vector<16xi32>
        %mul3A_389 = arith.constant 16 : i32
        %mul3A_390 = arith.muli %scan3A_375, %mul3A_389 : i32
        %add3A_391 = vector.broadcast %mul3A_390 : i32 to vector<16xi32>
        %add3A_392 = arith.addi %add3A_391, %iota3A : vector<16xi32>
        tpu.vector_store_idx %arg8[%sub3A_388], %add3A_392 masked %le3A_380 : memref<2048xi32, #tpu.memory_space<vmem>>[vector<16xi32>], vector<16xi32>, vector<16xi1>
        %all_reduce_population_count3A_393 = tpu.all_reduce %le3A_380 {dim = 0 : i64, kind = #tpu.reduction_kind<sum>} : vector<16xi1> -> vector<16xi32>
        %add3A_394 = arith.addi %add3A_373, %all_reduce_population_count3A_393 : vector<16xi32>
        %scan3A_395 = arith.constant 2 : i32
        %scan3A_396 = arith.addi %scan3A_358, %scan3A_395 : i32
        %mul3A_397 = arith.constant 16 : i32
        %mul3A_398 = arith.muli %scan3A_396, %mul3A_397 : i32
        %get3A_399 = arith.index_cast %mul3A_398 : i32 to index
        %get3A_400 = tpu.vector_load %arg6[%get3A_399] {strides = array<i32>} : memref<2048xf32, #tpu.memory_space<vmem>>, vector<16xf32>,
        %le3A_401 = arith.cmpf ole, %get3A_400, %broadcast_in_dim3A_121 : vector<16xf32>
        %convert_element_type3A_402 = arith.extui %le3A_401 : vector<16xi1> to vector<16xi32>
        %broadcast_in_dim3A_403 = arith.constant true
        %broadcast_in_dim3A_404 = vector.broadcast %broadcast_in_dim3A_403 : i1 to vector<16xi1>
        %masked_cumsum3A_405 = tpu.scan <sum>, %convert_element_type3A_402 masked %broadcast_in_dim3A_404 : vector<16xi32>, vector<16xi1> -> vector<16xi32>
        %add3A_406 = arith.addi %add3A_394, %masked_cumsum3A_405 : vector<16xi32>
        %sub3A_407 = arith.constant 1 : i32
        %sub3A_408 = vector.broadcast %sub3A_407 : i32 to vector<16xi32>
        %sub3A_409 = arith.subi %add3A_406, %sub3A_408 : vector<16xi32>
        %mul3A_410 = arith.constant 16 : i32
        %mul3A_411 = arith.muli %scan3A_396, %mul3A_410 : i32
        %add3A_412 = vector.broadcast %mul3A_411 : i32 to vector<16xi32>
        %add3A_413 = arith.addi %add3A_412, %iota3A : vector<16xi32>
        tpu.vector_store_idx %arg8[%sub3A_409], %add3A_413 masked %le3A_401 : memref<2048xi32, #tpu.memory_space<vmem>>[vector<16xi32>], vector<16xi32>, vector<16xi1>
        %all_reduce_population_count3A_414 = tpu.all_reduce %le3A_401 {dim = 0 : i64, kind = #tpu.reduction_kind<sum>} : vector<16xi1> -> vector<16xi32>
        %add3A_415 = arith.addi %add3A_394, %all_reduce_population_count3A_414 : vector<16xi32>
        %scan3A_416 = arith.constant 3 : i32
        %scan3A_417 = arith.addi %scan3A_358, %scan3A_416 : i32
        %mul3A_418 = arith.constant 16 : i32
        %mul3A_419 = arith.muli %scan3A_417, %mul3A_418 : i32
        %get3A_420 = arith.index_cast %mul3A_419 : i32 to index
        %get3A_421 = tpu.vector_load %arg6[%get3A_420] {strides = array<i32>} : memref<2048xf32, #tpu.memory_space<vmem>>, vector<16xf32>,
        %le3A_422 = arith.cmpf ole, %get3A_421, %broadcast_in_dim3A_121 : vector<16xf32>
        %convert_element_type3A_423 = arith.extui %le3A_422 : vector<16xi1> to vector<16xi32>
        %broadcast_in_dim3A_424 = arith.constant true
        %broadcast_in_dim3A_425 = vector.broadcast %broadcast_in_dim3A_424 : i1 to vector<16xi1>
        %masked_cumsum3A_426 = tpu.scan <sum>, %convert_element_type3A_423 masked %broadcast_in_dim3A_425 : vector<16xi32>, vector<16xi1> -> vector<16xi32>
        %add3A_427 = arith.addi %add3A_415, %masked_cumsum3A_426 : vector<16xi32>
        %sub3A_428 = arith.constant 1 : i32
        %sub3A_429 = vector.broadcast %sub3A_428 : i32 to vector<16xi32>
        %sub3A_430 = arith.subi %add3A_427, %sub3A_429 : vector<16xi32>
        %mul3A_431 = arith.constant 16 : i32
        %mul3A_432 = arith.muli %scan3A_417, %mul3A_431 : i32
        %add3A_433 = vector.broadcast %mul3A_432 : i32 to vector<16xi32>
        %add3A_434 = arith.addi %add3A_433, %iota3A : vector<16xi32>
        tpu.vector_store_idx %arg8[%sub3A_430], %add3A_434 masked %le3A_422 : memref<2048xi32, #tpu.memory_space<vmem>>[vector<16xi32>], vector<16xi32>, vector<16xi1>
        %all_reduce_population_count3A_435 = tpu.all_reduce %le3A_422 {dim = 0 : i64, kind = #tpu.reduction_kind<sum>} : vector<16xi1> -> vector<16xi32>
        %add3A_436 = arith.addi %add3A_415, %all_reduce_population_count3A_435 : vector<16xi32>
        scf.yield %add3A_436 : vector<16xi32>
      }
      %scan3A_129 = arith.constant 128 : i32
      %reduce_max3A_130 = arith.constant true
      %reduce_max3A_131 = vector.broadcast %reduce_max3A_130 : i1 to vector<16xi1>
      %reduce_max3A_132 = arith.constant -2147483648 : i32
      %reduce_max3A_133 = vector.broadcast %reduce_max3A_132 : i32 to vector<16xi32>
      %reduce_max3A_134 = arith.xori %scan3A_128, %reduce_max3A_133 : vector<16xi32>
      %reduce_max3A_135 = tpu.scan <max>, %reduce_max3A_134 masked %reduce_max3A_131 : vector<16xi32>, vector<16xi1> -> vector<16xi32>
      %reduce_max3A_136 = arith.xori %reduce_max3A_135, %reduce_max3A_133 : vector<16xi32>
      %reduce_max3A_137 = vector.extract %reduce_max3A_136[15] : i32 from vector<16xi32>
      %add3A_138 = arith.constant 15 : i32
      %add3A_139 = arith.addi %reduce_max3A_137, %add3A_138 : i32
      %jit3A_140 = arith.constant 16 : i32
      %div3A_141 = arith.divsi %add3A_139, %jit3A_140 : i32
      %sign3A_142 = arith.constant 0 : i32
      %sign3A_143 = arith.cmpi sgt, %add3A_139, %sign3A_142 : i32
      %sign3A_144 = arith.extui %sign3A_143 : i1 to i32
      %sign3A_145 = arith.constant 0 : i32
      %sign3A_146 = arith.cmpi slt, %add3A_139, %sign3A_145 : i32
      %sign3A_147 = arith.extui %sign3A_146 : i1 to i32
      %sign3A_148 = arith.subi %sign3A_144, %sign3A_147 : i32
      %sign3A_149 = arith.constant 0 : i32
      %sign3A_150 = arith.cmpi sgt, %jit3A_140, %sign3A_149 : i32
      %sign3A_151 = arith.extui %sign3A_150 : i1 to i32
      %sign3A_152 = arith.constant 0 : i32
      %sign3A_153 = arith.cmpi slt, %jit3A_140, %sign3A_152 : i32
      %sign3A_154 = arith.extui %sign3A_153 : i1 to i32
      %sign3A_155 = arith.subi %sign3A_151, %sign3A_154 : i32
      %ne3A_156 = arith.cmpi ne, %sign3A_148, %sign3A_155 : i32
      %rem3A_157 = arith.remsi %add3A_139, %jit3A_140 : i32
      %ne3A_158 = arith.constant 0 : i32
      %ne3A_159 = arith.cmpi ne, %rem3A_157, %ne3A_158 : i32
      %and3A_160 = arith.andi %ne3A_156, %ne3A_159 : i1
      %sub3A_161 = arith.constant 1 : i32
      %sub3A_162 = arith.subi %div3A_141, %sub3A_161 : i32
      %select_n3A_163 = arith.select %and3A_160, %sub3A_162, %div3A_141 : i32
      %broadcast_in_dim3A_164 = vector.broadcast %scan3A : f32 to vector<16xf32>
      %broadcast_in_dim3A_165 = arith.constant 0 : i32
      %broadcast_in_dim3A_166 = vector.broadcast %broadcast_in_dim3A_165 : i32 to vector<16xi32>
      %while3A = arith.constant 0 : i32
      %while3A_167 = arith.subi %select_n3A_163, %while3A : i32
      %while3A_168 = arith.addi %while3A, %while3A_167 : i32
      %while3A_169 = arith.constant 1 : i32
      %while3A_170 = arith.divsi %while3A_167, %while3A_169 : i32
      %while3A_171 = arith.muli %while3A_170, %while3A_169 : i32
      %while3A_172 = arith.addi %while3A, %while3A_171 : i32
      %while3A_173 = arith.constant 1 : i32
      %while3A_174:2 = scf.for %while3A_358 = %while3A to %while3A_172 step %while3A_173 iter_args(%while3A_359 = %broadcast_in_dim3A_164, %while3A_360 = %broadcast_in_dim3A_166) -> (vector<16xf32>, vector<16xi32>)  : i32 {
        %mul3A_361 = arith.constant 16 : i32
        %mul3A_362 = arith.muli %while3A_358, %mul3A_361 : i32
        %add3A_363 = vector.broadcast %mul3A_362 : i32 to vector<16xi32>
        %add3A_364 = arith.addi %add3A_363, %iota3A : vector<16xi32>
        %lt3A_365 = arith.cmpi slt, %add3A_364, %scan3A_128 : vector<16xi32>
        %mul3A_366 = arith.constant 16 : i32
        %mul3A_367 = arith.muli %while3A_358, %mul3A_366 : i32
        %get3A = arith.index_cast %mul3A_367 : i32 to index
        %get3A_368 = tpu.vector_load %arg8[%get3A] {strides = array<i32>} : memref<2048xi32, #tpu.memory_space<vmem>>, vector<16xi32>,
        %gather3A_369 = tpu.vector_load_idx %arg6[%get3A_368] masked %lt3A_365 : memref<2048xf32, #tpu.memory_space<vmem>>[vector<16xi32>], vector<16xf32>, vector<16xi1>
        %broadcast_in_dim3A_370 = vector.broadcast %scan3A : f32 to vector<16xf32>
        %select_n3A_371 = arith.select %lt3A_365, %gather3A_369, %broadcast_in_dim3A_370 : vector<16xi1>, vector<16xf32>
        %masked_sort3A = arith.constant dense<true> : vector<16xi1>
        %masked_sort3A_372, %masked_sort3A_373, %masked_sort3A_374 = tpu.sort %select_n3A_371, %get3A_368 masked %masked_sort3A : (vector<16xf32>, vector<16xi32>, vector<16xi1>) -> (vector<16xi1>, vector<16xf32>, vector<16xi32>)
        %rev3A = arith.constant 15 : i32
        %rev3A_375 = vector.broadcast %rev3A : i32 to vector<16xi32>
        %rev3A_376 = tpu.iota {dimensions = array<i32: 0>} : vector<16xi32>
        %rev3A_377 = arith.subi %rev3A_375, %rev3A_376 : vector<16xi32>
        %rev3A_378 = tpu.dynamic_gather %masked_sort3A_373[%rev3A_377] in [0] : vector<16xf32>, vector<16xi32> -> vector<16xf32>
        %rev3A_379 = arith.constant 15 : i32
        %rev3A_380 = vector.broadcast %rev3A_379 : i32 to vector<16xi32>
        %rev3A_381 = tpu.iota {dimensions = array<i32: 0>} : vector<16xi32>
        %rev3A_382 = arith.subi %rev3A_380, %rev3A_381 : vector<16xi32>
        %rev3A_383 = tpu.dynamic_gather %masked_sort3A_374[%rev3A_382] in [0] : vector<16xi32>, vector<16xi32> -> vector<16xi32>
        %le3A = arith.cmpf ole, %while3A_359, %rev3A_378 : vector<16xf32>
        %select_n3A_384 = arith.select %le3A, %while3A_359, %rev3A_378 : vector<16xi1>, vector<16xf32>
        %select_n3A_385 = arith.select %le3A, %while3A_360, %rev3A_383 : vector<16xi1>, vector<16xi32>
        %masked_sort3A_386 = arith.constant dense<true> : vector<16xi1>
        %masked_sort3A_387, %masked_sort3A_388, %masked_sort3A_389 = tpu.sort %select_n3A_384, %select_n3A_385 masked %masked_sort3A_386 : (vector<16xf32>, vector<16xi32>, vector<16xi1>) -> (vector<16xi1>, vector<16xf32>, vector<16xi32>)
        scf.yield %masked_sort3A_388, %masked_sort3A_389 : vector<16xf32>, vector<16xi32>
      }
      %while3A_175 = arith.constant 1 : i32
      %while3A_176:2 = scf.for %while3A_358 = %while3A_172 to %while3A_168 step %while3A_175 iter_args(%while3A_359 = %while3A_174#0, %while3A_360 = %while3A_174#1) -> (vector<16xf32>, vector<16xi32>)  : i32 {
        %mul3A_361 = arith.constant 16 : i32
        %mul3A_362 = arith.muli %while3A_358, %mul3A_361 : i32
        %add3A_363 = vector.broadcast %mul3A_362 : i32 to vector<16xi32>
        %add3A_364 = arith.addi %add3A_363, %iota3A : vector<16xi32>
        %lt3A_365 = arith.cmpi slt, %add3A_364, %scan3A_128 : vector<16xi32>
        %mul3A_366 = arith.constant 16 : i32
        %mul3A_367 = arith.muli %while3A_358, %mul3A_366 : i32
        %get3A = arith.index_cast %mul3A_367 : i32 to index
        %get3A_368 = tpu.vector_load %arg8[%get3A] {strides = array<i32>} : memref<2048xi32, #tpu.memory_space<vmem>>, vector<16xi32>,
        %gather3A_369 = tpu.vector_load_idx %arg6[%get3A_368] masked %lt3A_365 : memref<2048xf32, #tpu.memory_space<vmem>>[vector<16xi32>], vector<16xf32>, vector<16xi1>
        %broadcast_in_dim3A_370 = vector.broadcast %scan3A : f32 to vector<16xf32>
        %select_n3A_371 = arith.select %lt3A_365, %gather3A_369, %broadcast_in_dim3A_370 : vector<16xi1>, vector<16xf32>
        %masked_sort3A = arith.constant dense<true> : vector<16xi1>
        %masked_sort3A_372, %masked_sort3A_373, %masked_sort3A_374 = tpu.sort %select_n3A_371, %get3A_368 masked %masked_sort3A : (vector<16xf32>, vector<16xi32>, vector<16xi1>) -> (vector<16xi1>, vector<16xf32>, vector<16xi32>)
        %rev3A = arith.constant 15 : i32
        %rev3A_375 = vector.broadcast %rev3A : i32 to vector<16xi32>
        %rev3A_376 = tpu.iota {dimensions = array<i32: 0>} : vector<16xi32>
        %rev3A_377 = arith.subi %rev3A_375, %rev3A_376 : vector<16xi32>
        %rev3A_378 = tpu.dynamic_gather %masked_sort3A_373[%rev3A_377] in [0] : vector<16xf32>, vector<16xi32> -> vector<16xf32>
        %rev3A_379 = arith.constant 15 : i32
        %rev3A_380 = vector.broadcast %rev3A_379 : i32 to vector<16xi32>
        %rev3A_381 = tpu.iota {dimensions = array<i32: 0>} : vector<16xi32>
        %rev3A_382 = arith.subi %rev3A_380, %rev3A_381 : vector<16xi32>
        %rev3A_383 = tpu.dynamic_gather %masked_sort3A_374[%rev3A_382] in [0] : vector<16xi32>, vector<16xi32> -> vector<16xi32>
        %le3A = arith.cmpf ole, %while3A_359, %rev3A_378 : vector<16xf32>
        %select_n3A_384 = arith.select %le3A, %while3A_359, %rev3A_378 : vector<16xi1>, vector<16xf32>
        %select_n3A_385 = arith.select %le3A, %while3A_360, %rev3A_383 : vector<16xi1>, vector<16xi32>
        %masked_sort3A_386 = arith.constant dense<true> : vector<16xi1>
        %masked_sort3A_387, %masked_sort3A_388, %masked_sort3A_389 = tpu.sort %select_n3A_384, %select_n3A_385 masked %masked_sort3A_386 : (vector<16xf32>, vector<16xi32>, vector<16xi1>) -> (vector<16xi1>, vector<16xf32>, vector<16xi32>)
        scf.yield %masked_sort3A_388, %masked_sort3A_389 : vector<16xf32>, vector<16xi32>
      }
      %broadcast_in_dim3A_177 = vector.broadcast %add3A_111 : i32 to vector<16xi32>
      %mul3A_178 = arith.constant 256 : i32
      %mul3A_179 = vector.broadcast %mul3A_178 : i32 to vector<16xi32>
      %mul3A_180 = arith.muli %iota3A, %mul3A_179 : vector<16xi32>
      %mul3A_181 = arith.constant 4 : i32
      %mul3A_182 = arith.muli %add3A_101, %mul3A_181 : i32
      %add3A_183 = vector.broadcast %mul3A_182 : i32 to vector<16xi32>
      %add3A_184 = arith.addi %mul3A_180, %add3A_183 : vector<16xi32>
      %broadcast_in_dim3A_185 = arith.constant 0 : i32
      %broadcast_in_dim3A_186 = vector.broadcast %broadcast_in_dim3A_185 : i32 to vector<16xi32>
      %gather3A = tpu.vector_load_idx %arg5[%broadcast_in_dim3A_186, %broadcast_in_dim3A_177] : memref<3x2048xf32, #tpu.memory_space<vmem>>[vector<16xi32>, vector<16xi32>], vector<16xf32>,
      %gather3A_187 = tpu.vector_load_idx %arg5[%broadcast_in_dim3A_186, %while3A_176#1] : memref<3x2048xf32, #tpu.memory_space<vmem>>[vector<16xi32>, vector<16xi32>], vector<16xf32>,
      %add3A_188 = arith.constant 0 : i32
      %add3A_189 = vector.broadcast %add3A_188 : i32 to vector<16xi32>
      %add3A_190 = arith.addi %add3A_184, %add3A_189 : vector<16xi32>
      %sub3A_191 = arith.subf %gather3A, %gather3A_187 : vector<16xf32>
      tpu.vector_store_idx %arg9[%add3A_190], %sub3A_191 : memref<4096xf32, #tpu.memory_space<vmem>>[vector<16xi32>], vector<16xf32>,
      %broadcast_in_dim3A_192 = arith.constant 1 : i32
      %broadcast_in_dim3A_193 = vector.broadcast %broadcast_in_dim3A_192 : i32 to vector<16xi32>
      %gather3A_194 = tpu.vector_load_idx %arg5[%broadcast_in_dim3A_193, %broadcast_in_dim3A_177] : memref<3x2048xf32, #tpu.memory_space<vmem>>[vector<16xi32>, vector<16xi32>], vector<16xf32>,
      %gather3A_195 = tpu.vector_load_idx %arg5[%broadcast_in_dim3A_193, %while3A_176#1] : memref<3x2048xf32, #tpu.memory_space<vmem>>[vector<16xi32>, vector<16xi32>], vector<16xf32>,
      %add3A_196 = arith.constant 1 : i32
      %add3A_197 = vector.broadcast %add3A_196 : i32 to vector<16xi32>
      %add3A_198 = arith.addi %add3A_184, %add3A_197 : vector<16xi32>
      %sub3A_199 = arith.subf %gather3A_194, %gather3A_195 : vector<16xf32>
      tpu.vector_store_idx %arg9[%add3A_198], %sub3A_199 : memref<4096xf32, #tpu.memory_space<vmem>>[vector<16xi32>], vector<16xf32>,
      %broadcast_in_dim3A_200 = arith.constant 2 : i32
      %broadcast_in_dim3A_201 = vector.broadcast %broadcast_in_dim3A_200 : i32 to vector<16xi32>
      %gather3A_202 = tpu.vector_load_idx %arg5[%broadcast_in_dim3A_201, %broadcast_in_dim3A_177] : memref<3x2048xf32, #tpu.memory_space<vmem>>[vector<16xi32>, vector<16xi32>], vector<16xf32>,
      %gather3A_203 = tpu.vector_load_idx %arg5[%broadcast_in_dim3A_201, %while3A_176#1] : memref<3x2048xf32, #tpu.memory_space<vmem>>[vector<16xi32>, vector<16xi32>], vector<16xf32>,
      %add3A_204 = arith.constant 2 : i32
      %add3A_205 = vector.broadcast %add3A_204 : i32 to vector<16xi32>
      %add3A_206 = arith.addi %add3A_184, %add3A_205 : vector<16xi32>
      %sub3A_207 = arith.subf %gather3A_202, %gather3A_203 : vector<16xf32>
      tpu.vector_store_idx %arg9[%add3A_206], %sub3A_207 : memref<4096xf32, #tpu.memory_space<vmem>>[vector<16xi32>], vector<16xf32>,
      %add3A_208 = arith.constant 3 : i32
      %add3A_209 = vector.broadcast %add3A_208 : i32 to vector<16xi32>
      %add3A_210 = arith.addi %add3A_184, %add3A_209 : vector<16xi32>
      %broadcast_in_dim3A_211 = arith.constant 0.000000e+00 : f32
      %broadcast_in_dim3A_212 = vector.broadcast %broadcast_in_dim3A_211 : f32 to vector<16xf32>
      tpu.vector_store_idx %arg9[%add3A_210], %broadcast_in_dim3A_212 : memref<4096xf32, #tpu.memory_space<vmem>>[vector<16xi32>], vector<16xf32>,
      %mul3A_213 = arith.constant 64 : i32
      %mul3A_214 = arith.muli %select_n3A_30, %mul3A_213 : i32
      %add3A_215 = arith.addi %mul3A_214, %add3A_101 : i32
      %add3A_216 = arith.constant 2 : i32
      %add3A_217 = arith.addi %add3A_215, %add3A_216 : i32
      %min3A = arith.constant 2047 : i32
      %min3A_218 = arith.minsi %add3A_217, %min3A : i32
      %dma_start3A_219 = arith.constant 0 : i32
      %dma_start3A_220 = tpu.memref_slice %arg2[%select_n3A, %min3A_218, %dma_start3A_219] : memref<1x2048x2048xf32, #tpu.memory_space<hbm>> -> memref<1x1x2048xf32, #tpu.memory_space<hbm>>
      %dma_start3A_221 = tpu.memref_squeeze %dma_start3A_220 : memref<1x1x2048xf32, #tpu.memory_space<hbm>> -> memref<2048xf32, #tpu.memory_space<hbm>>
      %dma_start3A_222 = arith.constant 0 : i32
      %dma_start3A_223 = tpu.memref_slice %arg2[%select_n3A, %min3A_218, %dma_start3A_222] : memref<1x2048x2048xf32, #tpu.memory_space<hbm>> -> memref<1x1x2048xf32, #tpu.memory_space<hbm>>
      %dma_start3A_224 = tpu.memref_squeeze %dma_start3A_223 : memref<1x1x2048xf32, #tpu.memory_space<hbm>> -> memref<2048xf32, #tpu.memory_space<hbm>>
      tpu.enqueue_dma source(%dma_start3A_224 : memref<2048xf32, #tpu.memory_space<hbm>>) target(%arg6 : memref<2048xf32, #tpu.memory_space<vmem>>) target_semaphore(%arg11 : memref<!tpu.dma_semaphore, #tpu.memory_space<semaphore_mem>>)
      %mul3A_225 = arith.constant 2 : i32
      %mul3A_226 = arith.muli %scan3A_96, %mul3A_225 : i32
      %add3A_227 = arith.constant 1 : i32
      %add3A_228 = arith.addi %mul3A_226, %add3A_227 : i32
      %dma_wait3A_229 = arith.constant 0 : i32
      %dma_wait3A_230 = arith.constant 0 : i32
      %dma_wait3A_231 = tpu.memref_slice %arg2[%select_n3A, %dma_wait3A_229, %dma_wait3A_230] : memref<1x2048x2048xf32, #tpu.memory_space<hbm>> -> memref<1x1x2048xf32, #tpu.memory_space<hbm>>
      %dma_wait3A_232 = tpu.memref_squeeze %dma_wait3A_231 : memref<1x1x2048xf32, #tpu.memory_space<hbm>> -> memref<2048xf32, #tpu.memory_space<hbm>>
      %dma_wait3A_233 = arith.constant 0 : i32
      %dma_wait3A_234 = tpu.memref_slice %arg2[%select_n3A, %dma_wait3A_229, %dma_wait3A_233] : memref<1x2048x2048xf32, #tpu.memory_space<hbm>> -> memref<1x1x2048xf32, #tpu.memory_space<hbm>>
      %dma_wait3A_235 = tpu.memref_squeeze %dma_wait3A_234 : memref<1x1x2048xf32, #tpu.memory_space<hbm>> -> memref<2048xf32, #tpu.memory_space<hbm>>
      tpu.wait_dma2 semaphore(%arg12 : memref<!tpu.dma_semaphore, #tpu.memory_space<semaphore_mem>>) src(%dma_wait3A_235 : memref<2048xf32, #tpu.memory_space<hbm>>) dst(%arg7 : memref<2048xf32, #tpu.memory_space<vmem>>)
      %mul3A_236 = arith.constant 64 : i32
      %mul3A_237 = arith.muli %select_n3A_30, %mul3A_236 : i32
      %add3A_238 = arith.addi %mul3A_237, %add3A_228 : i32
      %broadcast_in_dim3A_239 = vector.broadcast %scan3A : f32 to vector<16xf32>
      %scan3A_240 = arith.constant 0 : i32
      %scan3A_241 = arith.constant 128 : i32
      %scan3A_242 = arith.addi %scan3A_240, %scan3A_241 : i32
      %scan3A_243 = arith.constant 8 : i32
      %scan3A_244 = scf.for %scan3A_358 = %scan3A_240 to %scan3A_242 step %scan3A_243 iter_args(%scan3A_359 = %broadcast_in_dim3A_239) -> (vector<16xf32>)  : i32 {
        %mul3A_360 = arith.constant 16 : i32
        %mul3A_361 = arith.muli %scan3A_358, %mul3A_360 : i32
        %get3A = arith.index_cast %mul3A_361 : i32 to index
        %get3A_362 = tpu.vector_load %arg7[%get3A] {strides = array<i32>} : memref<2048xf32, #tpu.memory_space<vmem>>, vector<16xf32>,
        %min3A_363 = arith.minimumf %scan3A_359, %get3A_362 : vector<16xf32>
        %scan3A_364 = arith.constant 1 : i32
        %scan3A_365 = arith.addi %scan3A_358, %scan3A_364 : i32
        %mul3A_366 = arith.constant 16 : i32
        %mul3A_367 = arith.muli %scan3A_365, %mul3A_366 : i32
        %get3A_368 = arith.index_cast %mul3A_367 : i32 to index
        %get3A_369 = tpu.vector_load %arg7[%get3A_368] {strides = array<i32>} : memref<2048xf32, #tpu.memory_space<vmem>>, vector<16xf32>,
        %min3A_370 = arith.minimumf %min3A_363, %get3A_369 : vector<16xf32>
        %scan3A_371 = arith.constant 2 : i32
        %scan3A_372 = arith.addi %scan3A_358, %scan3A_371 : i32
        %mul3A_373 = arith.constant 16 : i32
        %mul3A_374 = arith.muli %scan3A_372, %mul3A_373 : i32
        %get3A_375 = arith.index_cast %mul3A_374 : i32 to index
        %get3A_376 = tpu.vector_load %arg7[%get3A_375] {strides = array<i32>} : memref<2048xf32, #tpu.memory_space<vmem>>, vector<16xf32>,
        %min3A_377 = arith.minimumf %min3A_370, %get3A_376 : vector<16xf32>
        %scan3A_378 = arith.constant 3 : i32
        %scan3A_379 = arith.addi %scan3A_358, %scan3A_378 : i32
        %mul3A_380 = arith.constant 16 : i32
        %mul3A_381 = arith.muli %scan3A_379, %mul3A_380 : i32
        %get3A_382 = arith.index_cast %mul3A_381 : i32 to index
        %get3A_383 = tpu.vector_load %arg7[%get3A_382] {strides = array<i32>} : memref<2048xf32, #tpu.memory_space<vmem>>, vector<16xf32>,
        %min3A_384 = arith.minimumf %min3A_377, %get3A_383 : vector<16xf32>
        %scan3A_385 = arith.constant 4 : i32
        %scan3A_386 = arith.addi %scan3A_358, %scan3A_385 : i32
        %mul3A_387 = arith.constant 16 : i32
        %mul3A_388 = arith.muli %scan3A_386, %mul3A_387 : i32
        %get3A_389 = arith.index_cast %mul3A_388 : i32 to index
        %get3A_390 = tpu.vector_load %arg7[%get3A_389] {strides = array<i32>} : memref<2048xf32, #tpu.memory_space<vmem>>, vector<16xf32>,
        %min3A_391 = arith.minimumf %min3A_384, %get3A_390 : vector<16xf32>
        %scan3A_392 = arith.constant 5 : i32
        %scan3A_393 = arith.addi %scan3A_358, %scan3A_392 : i32
        %mul3A_394 = arith.constant 16 : i32
        %mul3A_395 = arith.muli %scan3A_393, %mul3A_394 : i32
        %get3A_396 = arith.index_cast %mul3A_395 : i32 to index
        %get3A_397 = tpu.vector_load %arg7[%get3A_396] {strides = array<i32>} : memref<2048xf32, #tpu.memory_space<vmem>>, vector<16xf32>,
        %min3A_398 = arith.minimumf %min3A_391, %get3A_397 : vector<16xf32>
        %scan3A_399 = arith.constant 6 : i32
        %scan3A_400 = arith.addi %scan3A_358, %scan3A_399 : i32
        %mul3A_401 = arith.constant 16 : i32
        %mul3A_402 = arith.muli %scan3A_400, %mul3A_401 : i32
        %get3A_403 = arith.index_cast %mul3A_402 : i32 to index
        %get3A_404 = tpu.vector_load %arg7[%get3A_403] {strides = array<i32>} : memref<2048xf32, #tpu.memory_space<vmem>>, vector<16xf32>,
        %min3A_405 = arith.minimumf %min3A_398, %get3A_404 : vector<16xf32>
        %scan3A_406 = arith.constant 7 : i32
        %scan3A_407 = arith.addi %scan3A_358, %scan3A_406 : i32
        %mul3A_408 = arith.constant 16 : i32
        %mul3A_409 = arith.muli %scan3A_407, %mul3A_408 : i32
        %get3A_410 = arith.index_cast %mul3A_409 : i32 to index
        %get3A_411 = tpu.vector_load %arg7[%get3A_410] {strides = array<i32>} : memref<2048xf32, #tpu.memory_space<vmem>>, vector<16xf32>,
        %min3A_412 = arith.minimumf %min3A_405, %get3A_411 : vector<16xf32>
        scf.yield %min3A_412 : vector<16xf32>
      }
      %scan3A_245 = arith.constant 128 : i32
      %reduce_max3A_246 = arith.constant true
      %reduce_max3A_247 = vector.broadcast %reduce_max3A_246 : i1 to vector<16xi1>
      %reduce_max3A_248 = tpu.scan <max>, %scan3A_244 masked %reduce_max3A_247 : vector<16xf32>, vector<16xi1> -> vector<16xf32>
      %reduce_max3A_249 = vector.extract %reduce_max3A_248[15] : f32 from vector<16xf32>
      %broadcast_in_dim3A_250 = vector.broadcast %reduce_max3A_249 : f32 to vector<16xf32>
      %broadcast_in_dim3A_251 = arith.constant 0 : i32
      %broadcast_in_dim3A_252 = vector.broadcast %broadcast_in_dim3A_251 : i32 to vector<16xi32>
      %scan3A_253 = arith.constant 0 : i32
      %scan3A_254 = arith.constant 128 : i32
      %scan3A_255 = arith.addi %scan3A_253, %scan3A_254 : i32
      %scan3A_256 = arith.constant 4 : i32
      %scan3A_257 = scf.for %scan3A_358 = %scan3A_253 to %scan3A_255 step %scan3A_256 iter_args(%scan3A_359 = %broadcast_in_dim3A_252) -> (vector<16xi32>)  : i32 {
        %mul3A_360 = arith.constant 16 : i32
        %mul3A_361 = arith.muli %scan3A_358, %mul3A_360 : i32
        %get3A = arith.index_cast %mul3A_361 : i32 to index
        %get3A_362 = tpu.vector_load %arg7[%get3A] {strides = array<i32>} : memref<2048xf32, #tpu.memory_space<vmem>>, vector<16xf32>,
        %le3A = arith.cmpf ole, %get3A_362, %broadcast_in_dim3A_250 : vector<16xf32>
        %convert_element_type3A = arith.extui %le3A : vector<16xi1> to vector<16xi32>
        %broadcast_in_dim3A_363 = arith.constant true
        %broadcast_in_dim3A_364 = vector.broadcast %broadcast_in_dim3A_363 : i1 to vector<16xi1>
        %masked_cumsum3A = tpu.scan <sum>, %convert_element_type3A masked %broadcast_in_dim3A_364 : vector<16xi32>, vector<16xi1> -> vector<16xi32>
        %add3A_365 = arith.addi %scan3A_359, %masked_cumsum3A : vector<16xi32>
        %sub3A_366 = arith.constant 1 : i32
        %sub3A_367 = vector.broadcast %sub3A_366 : i32 to vector<16xi32>
        %sub3A_368 = arith.subi %add3A_365, %sub3A_367 : vector<16xi32>
        %mul3A_369 = arith.constant 16 : i32
        %mul3A_370 = arith.muli %scan3A_358, %mul3A_369 : i32
        %add3A_371 = vector.broadcast %mul3A_370 : i32 to vector<16xi32>
        %add3A_372 = arith.addi %add3A_371, %iota3A : vector<16xi32>
        tpu.vector_store_idx %arg8[%sub3A_368], %add3A_372 masked %le3A : memref<2048xi32, #tpu.memory_space<vmem>>[vector<16xi32>], vector<16xi32>, vector<16xi1>
        %all_reduce_population_count3A = tpu.all_reduce %le3A {dim = 0 : i64, kind = #tpu.reduction_kind<sum>} : vector<16xi1> -> vector<16xi32>
        %add3A_373 = arith.addi %scan3A_359, %all_reduce_population_count3A : vector<16xi32>
        %scan3A_374 = arith.constant 1 : i32
        %scan3A_375 = arith.addi %scan3A_358, %scan3A_374 : i32
        %mul3A_376 = arith.constant 16 : i32
        %mul3A_377 = arith.muli %scan3A_375, %mul3A_376 : i32
        %get3A_378 = arith.index_cast %mul3A_377 : i32 to index
        %get3A_379 = tpu.vector_load %arg7[%get3A_378] {strides = array<i32>} : memref<2048xf32, #tpu.memory_space<vmem>>, vector<16xf32>,
        %le3A_380 = arith.cmpf ole, %get3A_379, %broadcast_in_dim3A_250 : vector<16xf32>
        %convert_element_type3A_381 = arith.extui %le3A_380 : vector<16xi1> to vector<16xi32>
        %broadcast_in_dim3A_382 = arith.constant true
        %broadcast_in_dim3A_383 = vector.broadcast %broadcast_in_dim3A_382 : i1 to vector<16xi1>
        %masked_cumsum3A_384 = tpu.scan <sum>, %convert_element_type3A_381 masked %broadcast_in_dim3A_383 : vector<16xi32>, vector<16xi1> -> vector<16xi32>
        %add3A_385 = arith.addi %add3A_373, %masked_cumsum3A_384 : vector<16xi32>
        %sub3A_386 = arith.constant 1 : i32
        %sub3A_387 = vector.broadcast %sub3A_386 : i32 to vector<16xi32>
        %sub3A_388 = arith.subi %add3A_385, %sub3A_387 : vector<16xi32>
        %mul3A_389 = arith.constant 16 : i32
        %mul3A_390 = arith.muli %scan3A_375, %mul3A_389 : i32
        %add3A_391 = vector.broadcast %mul3A_390 : i32 to vector<16xi32>
        %add3A_392 = arith.addi %add3A_391, %iota3A : vector<16xi32>
        tpu.vector_store_idx %arg8[%sub3A_388], %add3A_392 masked %le3A_380 : memref<2048xi32, #tpu.memory_space<vmem>>[vector<16xi32>], vector<16xi32>, vector<16xi1>
        %all_reduce_population_count3A_393 = tpu.all_reduce %le3A_380 {dim = 0 : i64, kind = #tpu.reduction_kind<sum>} : vector<16xi1> -> vector<16xi32>
        %add3A_394 = arith.addi %add3A_373, %all_reduce_population_count3A_393 : vector<16xi32>
        %scan3A_395 = arith.constant 2 : i32
        %scan3A_396 = arith.addi %scan3A_358, %scan3A_395 : i32
        %mul3A_397 = arith.constant 16 : i32
        %mul3A_398 = arith.muli %scan3A_396, %mul3A_397 : i32
        %get3A_399 = arith.index_cast %mul3A_398 : i32 to index
        %get3A_400 = tpu.vector_load %arg7[%get3A_399] {strides = array<i32>} : memref<2048xf32, #tpu.memory_space<vmem>>, vector<16xf32>,
        %le3A_401 = arith.cmpf ole, %get3A_400, %broadcast_in_dim3A_250 : vector<16xf32>
        %convert_element_type3A_402 = arith.extui %le3A_401 : vector<16xi1> to vector<16xi32>
        %broadcast_in_dim3A_403 = arith.constant true
        %broadcast_in_dim3A_404 = vector.broadcast %broadcast_in_dim3A_403 : i1 to vector<16xi1>
        %masked_cumsum3A_405 = tpu.scan <sum>, %convert_element_type3A_402 masked %broadcast_in_dim3A_404 : vector<16xi32>, vector<16xi1> -> vector<16xi32>
        %add3A_406 = arith.addi %add3A_394, %masked_cumsum3A_405 : vector<16xi32>
        %sub3A_407 = arith.constant 1 : i32
        %sub3A_408 = vector.broadcast %sub3A_407 : i32 to vector<16xi32>
        %sub3A_409 = arith.subi %add3A_406, %sub3A_408 : vector<16xi32>
        %mul3A_410 = arith.constant 16 : i32
        %mul3A_411 = arith.muli %scan3A_396, %mul3A_410 : i32
        %add3A_412 = vector.broadcast %mul3A_411 : i32 to vector<16xi32>
        %add3A_413 = arith.addi %add3A_412, %iota3A : vector<16xi32>
        tpu.vector_store_idx %arg8[%sub3A_409], %add3A_413 masked %le3A_401 : memref<2048xi32, #tpu.memory_space<vmem>>[vector<16xi32>], vector<16xi32>, vector<16xi1>
        %all_reduce_population_count3A_414 = tpu.all_reduce %le3A_401 {dim = 0 : i64, kind = #tpu.reduction_kind<sum>} : vector<16xi1> -> vector<16xi32>
        %add3A_415 = arith.addi %add3A_394, %all_reduce_population_count3A_414 : vector<16xi32>
        %scan3A_416 = arith.constant 3 : i32
        %scan3A_417 = arith.addi %scan3A_358, %scan3A_416 : i32
        %mul3A_418 = arith.constant 16 : i32
        %mul3A_419 = arith.muli %scan3A_417, %mul3A_418 : i32
        %get3A_420 = arith.index_cast %mul3A_419 : i32 to index
        %get3A_421 = tpu.vector_load %arg7[%get3A_420] {strides = array<i32>} : memref<2048xf32, #tpu.memory_space<vmem>>, vector<16xf32>,
        %le3A_422 = arith.cmpf ole, %get3A_421, %broadcast_in_dim3A_250 : vector<16xf32>
        %convert_element_type3A_423 = arith.extui %le3A_422 : vector<16xi1> to vector<16xi32>
        %broadcast_in_dim3A_424 = arith.constant true
        %broadcast_in_dim3A_425 = vector.broadcast %broadcast_in_dim3A_424 : i1 to vector<16xi1>
        %masked_cumsum3A_426 = tpu.scan <sum>, %convert_element_type3A_423 masked %broadcast_in_dim3A_425 : vector<16xi32>, vector<16xi1> -> vector<16xi32>
        %add3A_427 = arith.addi %add3A_415, %masked_cumsum3A_426 : vector<16xi32>
        %sub3A_428 = arith.constant 1 : i32
        %sub3A_429 = vector.broadcast %sub3A_428 : i32 to vector<16xi32>
        %sub3A_430 = arith.subi %add3A_427, %sub3A_429 : vector<16xi32>
        %mul3A_431 = arith.constant 16 : i32
        %mul3A_432 = arith.muli %scan3A_417, %mul3A_431 : i32
        %add3A_433 = vector.broadcast %mul3A_432 : i32 to vector<16xi32>
        %add3A_434 = arith.addi %add3A_433, %iota3A : vector<16xi32>
        tpu.vector_store_idx %arg8[%sub3A_430], %add3A_434 masked %le3A_422 : memref<2048xi32, #tpu.memory_space<vmem>>[vector<16xi32>], vector<16xi32>, vector<16xi1>
        %all_reduce_population_count3A_435 = tpu.all_reduce %le3A_422 {dim = 0 : i64, kind = #tpu.reduction_kind<sum>} : vector<16xi1> -> vector<16xi32>
        %add3A_436 = arith.addi %add3A_415, %all_reduce_population_count3A_435 : vector<16xi32>
        scf.yield %add3A_436 : vector<16xi32>
      }
      %scan3A_258 = arith.constant 128 : i32
      %reduce_max3A_259 = arith.constant true
      %reduce_max3A_260 = vector.broadcast %reduce_max3A_259 : i1 to vector<16xi1>
      %reduce_max3A_261 = arith.constant -2147483648 : i32
      %reduce_max3A_262 = vector.broadcast %reduce_max3A_261 : i32 to vector<16xi32>
      %reduce_max3A_263 = arith.xori %scan3A_257, %reduce_max3A_262 : vector<16xi32>
      %reduce_max3A_264 = tpu.scan <max>, %reduce_max3A_263 masked %reduce_max3A_260 : vector<16xi32>, vector<16xi1> -> vector<16xi32>
      %reduce_max3A_265 = arith.xori %reduce_max3A_264, %reduce_max3A_262 : vector<16xi32>
      %reduce_max3A_266 = vector.extract %reduce_max3A_265[15] : i32 from vector<16xi32>
      %add3A_267 = arith.constant 15 : i32
      %add3A_268 = arith.addi %reduce_max3A_266, %add3A_267 : i32
      %jit3A_269 = arith.constant 16 : i32
      %div3A_270 = arith.divsi %add3A_268, %jit3A_269 : i32
      %sign3A_271 = arith.constant 0 : i32
      %sign3A_272 = arith.cmpi sgt, %add3A_268, %sign3A_271 : i32
      %sign3A_273 = arith.extui %sign3A_272 : i1 to i32
      %sign3A_274 = arith.constant 0 : i32
      %sign3A_275 = arith.cmpi slt, %add3A_268, %sign3A_274 : i32
      %sign3A_276 = arith.extui %sign3A_275 : i1 to i32
      %sign3A_277 = arith.subi %sign3A_273, %sign3A_276 : i32
      %sign3A_278 = arith.constant 0 : i32
      %sign3A_279 = arith.cmpi sgt, %jit3A_269, %sign3A_278 : i32
      %sign3A_280 = arith.extui %sign3A_279 : i1 to i32
      %sign3A_281 = arith.constant 0 : i32
      %sign3A_282 = arith.cmpi slt, %jit3A_269, %sign3A_281 : i32
      %sign3A_283 = arith.extui %sign3A_282 : i1 to i32
      %sign3A_284 = arith.subi %sign3A_280, %sign3A_283 : i32
      %ne3A_285 = arith.cmpi ne, %sign3A_277, %sign3A_284 : i32
      %rem3A_286 = arith.remsi %add3A_268, %jit3A_269 : i32
      %ne3A_287 = arith.constant 0 : i32
      %ne3A_288 = arith.cmpi ne, %rem3A_286, %ne3A_287 : i32
      %and3A_289 = arith.andi %ne3A_285, %ne3A_288 : i1
      %sub3A_290 = arith.constant 1 : i32
      %sub3A_291 = arith.subi %div3A_270, %sub3A_290 : i32
      %select_n3A_292 = arith.select %and3A_289, %sub3A_291, %div3A_270 : i32
      %broadcast_in_dim3A_293 = vector.broadcast %scan3A : f32 to vector<16xf32>
      %broadcast_in_dim3A_294 = arith.constant 0 : i32
      %broadcast_in_dim3A_295 = vector.broadcast %broadcast_in_dim3A_294 : i32 to vector<16xi32>
      %while3A_296 = arith.constant 0 : i32
      %while3A_297 = arith.subi %select_n3A_292, %while3A_296 : i32
      %while3A_298 = arith.addi %while3A_296, %while3A_297 : i32
      %while3A_299 = arith.constant 1 : i32
      %while3A_300 = arith.divsi %while3A_297, %while3A_299 : i32
      %while3A_301 = arith.muli %while3A_300, %while3A_299 : i32
      %while3A_302 = arith.addi %while3A_296, %while3A_301 : i32
      %while3A_303 = arith.constant 1 : i32
      %while3A_304:2 = scf.for %while3A_358 = %while3A_296 to %while3A_302 step %while3A_303 iter_args(%while3A_359 = %broadcast_in_dim3A_293, %while3A_360 = %broadcast_in_dim3A_295) -> (vector<16xf32>, vector<16xi32>)  : i32 {
        %mul3A_361 = arith.constant 16 : i32
        %mul3A_362 = arith.muli %while3A_358, %mul3A_361 : i32
        %add3A_363 = vector.broadcast %mul3A_362 : i32 to vector<16xi32>
        %add3A_364 = arith.addi %add3A_363, %iota3A : vector<16xi32>
        %lt3A_365 = arith.cmpi slt, %add3A_364, %scan3A_257 : vector<16xi32>
        %mul3A_366 = arith.constant 16 : i32
        %mul3A_367 = arith.muli %while3A_358, %mul3A_366 : i32
        %get3A = arith.index_cast %mul3A_367 : i32 to index
        %get3A_368 = tpu.vector_load %arg8[%get3A] {strides = array<i32>} : memref<2048xi32, #tpu.memory_space<vmem>>, vector<16xi32>,
        %gather3A_369 = tpu.vector_load_idx %arg7[%get3A_368] masked %lt3A_365 : memref<2048xf32, #tpu.memory_space<vmem>>[vector<16xi32>], vector<16xf32>, vector<16xi1>
        %broadcast_in_dim3A_370 = vector.broadcast %scan3A : f32 to vector<16xf32>
        %select_n3A_371 = arith.select %lt3A_365, %gather3A_369, %broadcast_in_dim3A_370 : vector<16xi1>, vector<16xf32>
        %masked_sort3A = arith.constant dense<true> : vector<16xi1>
        %masked_sort3A_372, %masked_sort3A_373, %masked_sort3A_374 = tpu.sort %select_n3A_371, %get3A_368 masked %masked_sort3A : (vector<16xf32>, vector<16xi32>, vector<16xi1>) -> (vector<16xi1>, vector<16xf32>, vector<16xi32>)
        %rev3A = arith.constant 15 : i32
        %rev3A_375 = vector.broadcast %rev3A : i32 to vector<16xi32>
        %rev3A_376 = tpu.iota {dimensions = array<i32: 0>} : vector<16xi32>
        %rev3A_377 = arith.subi %rev3A_375, %rev3A_376 : vector<16xi32>
        %rev3A_378 = tpu.dynamic_gather %masked_sort3A_373[%rev3A_377] in [0] : vector<16xf32>, vector<16xi32> -> vector<16xf32>
        %rev3A_379 = arith.constant 15 : i32
        %rev3A_380 = vector.broadcast %rev3A_379 : i32 to vector<16xi32>
        %rev3A_381 = tpu.iota {dimensions = array<i32: 0>} : vector<16xi32>
        %rev3A_382 = arith.subi %rev3A_380, %rev3A_381 : vector<16xi32>
        %rev3A_383 = tpu.dynamic_gather %masked_sort3A_374[%rev3A_382] in [0] : vector<16xi32>, vector<16xi32> -> vector<16xi32>
        %le3A = arith.cmpf ole, %while3A_359, %rev3A_378 : vector<16xf32>
        %select_n3A_384 = arith.select %le3A, %while3A_359, %rev3A_378 : vector<16xi1>, vector<16xf32>
        %select_n3A_385 = arith.select %le3A, %while3A_360, %rev3A_383 : vector<16xi1>, vector<16xi32>
        %masked_sort3A_386 = arith.constant dense<true> : vector<16xi1>
        %masked_sort3A_387, %masked_sort3A_388, %masked_sort3A_389 = tpu.sort %select_n3A_384, %select_n3A_385 masked %masked_sort3A_386 : (vector<16xf32>, vector<16xi32>, vector<16xi1>) -> (vector<16xi1>, vector<16xf32>, vector<16xi32>)
        scf.yield %masked_sort3A_388, %masked_sort3A_389 : vector<16xf32>, vector<16xi32>
      }
      %while3A_305 = arith.constant 1 : i32
      %while3A_306:2 = scf.for %while3A_358 = %while3A_302 to %while3A_298 step %while3A_305 iter_args(%while3A_359 = %while3A_304#0, %while3A_360 = %while3A_304#1) -> (vector<16xf32>, vector<16xi32>)  : i32 {
        %mul3A_361 = arith.constant 16 : i32
        %mul3A_362 = arith.muli %while3A_358, %mul3A_361 : i32
        %add3A_363 = vector.broadcast %mul3A_362 : i32 to vector<16xi32>
        %add3A_364 = arith.addi %add3A_363, %iota3A : vector<16xi32>
        %lt3A_365 = arith.cmpi slt, %add3A_364, %scan3A_257 : vector<16xi32>
        %mul3A_366 = arith.constant 16 : i32
        %mul3A_367 = arith.muli %while3A_358, %mul3A_366 : i32
        %get3A = arith.index_cast %mul3A_367 : i32 to index
        %get3A_368 = tpu.vector_load %arg8[%get3A] {strides = array<i32>} : memref<2048xi32, #tpu.memory_space<vmem>>, vector<16xi32>,
        %gather3A_369 = tpu.vector_load_idx %arg7[%get3A_368] masked %lt3A_365 : memref<2048xf32, #tpu.memory_space<vmem>>[vector<16xi32>], vector<16xf32>, vector<16xi1>
        %broadcast_in_dim3A_370 = vector.broadcast %scan3A : f32 to vector<16xf32>
        %select_n3A_371 = arith.select %lt3A_365, %gather3A_369, %broadcast_in_dim3A_370 : vector<16xi1>, vector<16xf32>
        %masked_sort3A = arith.constant dense<true> : vector<16xi1>
        %masked_sort3A_372, %masked_sort3A_373, %masked_sort3A_374 = tpu.sort %select_n3A_371, %get3A_368 masked %masked_sort3A : (vector<16xf32>, vector<16xi32>, vector<16xi1>) -> (vector<16xi1>, vector<16xf32>, vector<16xi32>)
        %rev3A = arith.constant 15 : i32
        %rev3A_375 = vector.broadcast %rev3A : i32 to vector<16xi32>
        %rev3A_376 = tpu.iota {dimensions = array<i32: 0>} : vector<16xi32>
        %rev3A_377 = arith.subi %rev3A_375, %rev3A_376 : vector<16xi32>
        %rev3A_378 = tpu.dynamic_gather %masked_sort3A_373[%rev3A_377] in [0] : vector<16xf32>, vector<16xi32> -> vector<16xf32>
        %rev3A_379 = arith.constant 15 : i32
        %rev3A_380 = vector.broadcast %rev3A_379 : i32 to vector<16xi32>
        %rev3A_381 = tpu.iota {dimensions = array<i32: 0>} : vector<16xi32>
        %rev3A_382 = arith.subi %rev3A_380, %rev3A_381 : vector<16xi32>
        %rev3A_383 = tpu.dynamic_gather %masked_sort3A_374[%rev3A_382] in [0] : vector<16xi32>, vector<16xi32> -> vector<16xi32>
        %le3A = arith.cmpf ole, %while3A_359, %rev3A_378 : vector<16xf32>
        %select_n3A_384 = arith.select %le3A, %while3A_359, %rev3A_378 : vector<16xi1>, vector<16xf32>
        %select_n3A_385 = arith.select %le3A, %while3A_360, %rev3A_383 : vector<16xi1>, vector<16xi32>
        %masked_sort3A_386 = arith.constant dense<true> : vector<16xi1>
        %masked_sort3A_387, %masked_sort3A_388, %masked_sort3A_389 = tpu.sort %select_n3A_384, %select_n3A_385 masked %masked_sort3A_386 : (vector<16xf32>, vector<16xi32>, vector<16xi1>) -> (vector<16xi1>, vector<16xf32>, vector<16xi32>)
        scf.yield %masked_sort3A_388, %masked_sort3A_389 : vector<16xf32>, vector<16xi32>
      }
      %broadcast_in_dim3A_307 = vector.broadcast %add3A_238 : i32 to vector<16xi32>
      %mul3A_308 = arith.constant 256 : i32
      %mul3A_309 = vector.broadcast %mul3A_308 : i32 to vector<16xi32>
      %mul3A_310 = arith.muli %iota3A, %mul3A_309 : vector<16xi32>
      %mul3A_311 = arith.constant 4 : i32
      %mul3A_312 = arith.muli %add3A_228, %mul3A_311 : i32
      %add3A_313 = vector.broadcast %mul3A_312 : i32 to vector<16xi32>
      %add3A_314 = arith.addi %mul3A_310, %add3A_313 : vector<16xi32>
      %broadcast_in_dim3A_315 = arith.constant 0 : i32
      %broadcast_in_dim3A_316 = vector.broadcast %broadcast_in_dim3A_315 : i32 to vector<16xi32>
      %gather3A_317 = tpu.vector_load_idx %arg5[%broadcast_in_dim3A_316, %broadcast_in_dim3A_307] : memref<3x2048xf32, #tpu.memory_space<vmem>>[vector<16xi32>, vector<16xi32>], vector<16xf32>,
      %gather3A_318 = tpu.vector_load_idx %arg5[%broadcast_in_dim3A_316, %while3A_306#1] : memref<3x2048xf32, #tpu.memory_space<vmem>>[vector<16xi32>, vector<16xi32>], vector<16xf32>,
      %add3A_319 = arith.constant 0 : i32
      %add3A_320 = vector.broadcast %add3A_319 : i32 to vector<16xi32>
      %add3A_321 = arith.addi %add3A_314, %add3A_320 : vector<16xi32>
      %sub3A_322 = arith.subf %gather3A_317, %gather3A_318 : vector<16xf32>
      tpu.vector_store_idx %arg9[%add3A_321], %sub3A_322 : memref<4096xf32, #tpu.memory_space<vmem>>[vector<16xi32>], vector<16xf32>,
      %broadcast_in_dim3A_323 = arith.constant 1 : i32
      %broadcast_in_dim3A_324 = vector.broadcast %broadcast_in_dim3A_323 : i32 to vector<16xi32>
      %gather3A_325 = tpu.vector_load_idx %arg5[%broadcast_in_dim3A_324, %broadcast_in_dim3A_307] : memref<3x2048xf32, #tpu.memory_space<vmem>>[vector<16xi32>, vector<16xi32>], vector<16xf32>,
      %gather3A_326 = tpu.vector_load_idx %arg5[%broadcast_in_dim3A_324, %while3A_306#1] : memref<3x2048xf32, #tpu.memory_space<vmem>>[vector<16xi32>, vector<16xi32>], vector<16xf32>,
      %add3A_327 = arith.constant 1 : i32
      %add3A_328 = vector.broadcast %add3A_327 : i32 to vector<16xi32>
      %add3A_329 = arith.addi %add3A_314, %add3A_328 : vector<16xi32>
      %sub3A_330 = arith.subf %gather3A_325, %gather3A_326 : vector<16xf32>
      tpu.vector_store_idx %arg9[%add3A_329], %sub3A_330 : memref<4096xf32, #tpu.memory_space<vmem>>[vector<16xi32>], vector<16xf32>,
      %broadcast_in_dim3A_331 = arith.constant 2 : i32
      %broadcast_in_dim3A_332 = vector.broadcast %broadcast_in_dim3A_331 : i32 to vector<16xi32>
      %gather3A_333 = tpu.vector_load_idx %arg5[%broadcast_in_dim3A_332, %broadcast_in_dim3A_307] : memref<3x2048xf32, #tpu.memory_space<vmem>>[vector<16xi32>, vector<16xi32>], vector<16xf32>,
      %gather3A_334 = tpu.vector_load_idx %arg5[%broadcast_in_dim3A_332, %while3A_306#1] : memref<3x2048xf32, #tpu.memory_space<vmem>>[vector<16xi32>, vector<16xi32>], vector<16xf32>,
      %add3A_335 = arith.constant 2 : i32
      %add3A_336 = vector.broadcast %add3A_335 : i32 to vector<16xi32>
      %add3A_337 = arith.addi %add3A_314, %add3A_336 : vector<16xi32>
      %sub3A_338 = arith.subf %gather3A_333, %gather3A_334 : vector<16xf32>
      tpu.vector_store_idx %arg9[%add3A_337], %sub3A_338 : memref<4096xf32, #tpu.memory_space<vmem>>[vector<16xi32>], vector<16xf32>,
      %add3A_339 = arith.constant 3 : i32
      %add3A_340 = vector.broadcast %add3A_339 : i32 to vector<16xi32>
      %add3A_341 = arith.addi %add3A_314, %add3A_340 : vector<16xi32>
      %broadcast_in_dim3A_342 = arith.constant 0.000000e+00 : f32
      %broadcast_in_dim3A_343 = vector.broadcast %broadcast_in_dim3A_342 : f32 to vector<16xf32>
      tpu.vector_store_idx %arg9[%add3A_341], %broadcast_in_dim3A_343 : memref<4096xf32, #tpu.memory_space<vmem>>[vector<16xi32>], vector<16xf32>,
      %mul3A_344 = arith.constant 64 : i32
      %mul3A_345 = arith.muli %select_n3A_30, %mul3A_344 : i32
      %add3A_346 = arith.addi %mul3A_345, %add3A_228 : i32
      %add3A_347 = arith.constant 2 : i32
      %add3A_348 = arith.addi %add3A_346, %add3A_347 : i32
      %min3A_349 = arith.constant 2047 : i32
      %min3A_350 = arith.minsi %add3A_348, %min3A_349 : i32
      %dma_start3A_351 = arith.constant 0 : i32
      %dma_start3A_352 = tpu.memref_slice %arg2[%select_n3A, %min3A_350, %dma_start3A_351] : memref<1x2048x2048xf32, #tpu.memory_space<hbm>> -> memref<1x1x2048xf32, #tpu.memory_space<hbm>>
      %dma_start3A_353 = tpu.memref_squeeze %dma_start3A_352 : memref<1x1x2048xf32, #tpu.memory_space<hbm>> -> memref<2048xf32, #tpu.memory_space<hbm>>
      %dma_start3A_354 = arith.constant 0 : i32
      %dma_start3A_355 = tpu.memref_slice %arg2[%select_n3A, %min3A_350, %dma_start3A_354] : memref<1x2048x2048xf32, #tpu.memory_space<hbm>> -> memref<1x1x2048xf32, #tpu.memory_space<hbm>>
      %dma_start3A_356 = tpu.memref_squeeze %dma_start3A_355 : memref<1x1x2048xf32, #tpu.memory_space<hbm>> -> memref<2048xf32, #tpu.memory_space<hbm>>
      tpu.enqueue_dma source(%dma_start3A_356 : memref<2048xf32, #tpu.memory_space<hbm>>) target(%arg7 : memref<2048xf32, #tpu.memory_space<vmem>>) target_semaphore(%arg12 : memref<!tpu.dma_semaphore, #tpu.memory_space<semaphore_mem>>)
      %scan3A_357 = arith.constant 0 : i32
      scf.yield %scan3A_357 : i32
    }
    %scan3A_69 = arith.constant 32 : i32
    %dma_wait3A_70 = arith.constant 0 : i32
    %dma_wait3A_71 = arith.constant 0 : i32
    %dma_wait3A_72 = tpu.memref_slice %arg2[%select_n3A, %dma_wait3A_70, %dma_wait3A_71] : memref<1x2048x2048xf32, #tpu.memory_space<hbm>> -> memref<1x1x2048xf32, #tpu.memory_space<hbm>>
    %dma_wait3A_73 = tpu.memref_squeeze %dma_wait3A_72 : memref<1x1x2048xf32, #tpu.memory_space<hbm>> -> memref<2048xf32, #tpu.memory_space<hbm>>
    %dma_wait3A_74 = arith.constant 0 : i32
    %dma_wait3A_75 = tpu.memref_slice %arg2[%select_n3A, %dma_wait3A_70, %dma_wait3A_74] : memref<1x2048x2048xf32, #tpu.memory_space<hbm>> -> memref<1x1x2048xf32, #tpu.memory_space<hbm>>
    %dma_wait3A_76 = tpu.memref_squeeze %dma_wait3A_75 : memref<1x1x2048xf32, #tpu.memory_space<hbm>> -> memref<2048xf32, #tpu.memory_space<hbm>>
    tpu.wait_dma2 semaphore(%arg11 : memref<!tpu.dma_semaphore, #tpu.memory_space<semaphore_mem>>) src(%dma_wait3A_76 : memref<2048xf32, #tpu.memory_space<hbm>>) dst(%arg6 : memref<2048xf32, #tpu.memory_space<vmem>>)
    %dma_wait3A_77 = arith.constant 0 : i32
    %dma_wait3A_78 = arith.constant 0 : i32
    %dma_wait3A_79 = tpu.memref_slice %arg2[%select_n3A, %dma_wait3A_77, %dma_wait3A_78] : memref<1x2048x2048xf32, #tpu.memory_space<hbm>> -> memref<1x1x2048xf32, #tpu.memory_space<hbm>>
    %dma_wait3A_80 = tpu.memref_squeeze %dma_wait3A_79 : memref<1x1x2048xf32, #tpu.memory_space<hbm>> -> memref<2048xf32, #tpu.memory_space<hbm>>
    %dma_wait3A_81 = arith.constant 0 : i32
    %dma_wait3A_82 = tpu.memref_slice %arg2[%select_n3A, %dma_wait3A_77, %dma_wait3A_81] : memref<1x2048x2048xf32, #tpu.memory_space<hbm>> -> memref<1x1x2048xf32, #tpu.memory_space<hbm>>
    %dma_wait3A_83 = tpu.memref_squeeze %dma_wait3A_82 : memref<1x1x2048xf32, #tpu.memory_space<hbm>> -> memref<2048xf32, #tpu.memory_space<hbm>>
    tpu.wait_dma2 semaphore(%arg12 : memref<!tpu.dma_semaphore, #tpu.memory_space<semaphore_mem>>) src(%dma_wait3A_83 : memref<2048xf32, #tpu.memory_space<hbm>>) dst(%arg7 : memref<2048xf32, #tpu.memory_space<vmem>>)
    %dma_start3A_84 = arith.constant 0 : i32
    %dma_start3A_85 = tpu.memref_slice %arg4[%add3A, %dma_start3A_84] : memref<32x4096xf32, #tpu.memory_space<hbm>> -> memref<1x4096xf32, #tpu.memory_space<hbm>>
    %dma_start3A_86 = tpu.memref_squeeze %dma_start3A_85 : memref<1x4096xf32, #tpu.memory_space<hbm>> -> memref<4096xf32, #tpu.memory_space<hbm>>
    %dma_start3A_87 = arith.constant 0 : i32
    %dma_start3A_88 = tpu.memref_slice %arg4[%add3A, %dma_start3A_87] : memref<32x4096xf32, #tpu.memory_space<hbm>> -> memref<1x4096xf32, #tpu.memory_space<hbm>>
    %dma_start3A_89 = tpu.memref_squeeze %dma_start3A_88 : memref<1x4096xf32, #tpu.memory_space<hbm>> -> memref<4096xf32, #tpu.memory_space<hbm>>
    tpu.enqueue_dma source(%arg9 : memref<4096xf32, #tpu.memory_space<vmem>>) target(%dma_start3A_89 : memref<4096xf32, #tpu.memory_space<hbm>>) target_semaphore(%arg10 : memref<!tpu.dma_semaphore, #tpu.memory_space<semaphore_mem>>)
    %dma_wait3A_90 = arith.constant 0 : i32
    %dma_wait3A_91 = tpu.memref_slice %arg4[%add3A, %dma_wait3A_90] : memref<32x4096xf32, #tpu.memory_space<hbm>> -> memref<1x4096xf32, #tpu.memory_space<hbm>>
    %dma_wait3A_92 = tpu.memref_squeeze %dma_wait3A_91 : memref<1x4096xf32, #tpu.memory_space<hbm>> -> memref<4096xf32, #tpu.memory_space<hbm>>
    %dma_wait3A_93 = arith.constant 0 : i32
    %dma_wait3A_94 = tpu.memref_slice %arg4[%add3A, %dma_wait3A_93] : memref<32x4096xf32, #tpu.memory_space<hbm>> -> memref<1x4096xf32, #tpu.memory_space<hbm>>
    %dma_wait3A_95 = tpu.memref_squeeze %dma_wait3A_94 : memref<1x4096xf32, #tpu.memory_space<hbm>> -> memref<4096xf32, #tpu.memory_space<hbm>>
    tpu.wait_dma2 semaphore(%arg10 : memref<!tpu.dma_semaphore, #tpu.memory_space<semaphore_mem>>) src(%arg9 : memref<4096xf32, #tpu.memory_space<vmem>>) dst(%dma_wait3A_95 : memref<4096xf32, #tpu.memory_space<hbm>>)
    return
  }
}

module attributes {stable_mosaic.version = 14 : i64} {
  func.func @_dist_kernel(%arg0: i32, %arg1: i32, %arg2: memref<1x8x2048xf32, #tpu.memory_space<vmem>>, %arg3: memref<1x256x8xf32, #tpu.memory_space<vmem>>, %arg4: memref<1x256x2048xf32, #tpu.memory_space<vmem>>) attributes {dimension_semantics = [#tpu.dimension_semantics<arbitrary>, #tpu.dimension_semantics<arbitrary>], iteration_bounds = array<i64: 1, 8>, scalar_prefetch = 0 : i64, scratch_operands = 0 : i64, tpu.core_type = #tpu.core_type<tc>, window_params = [{transform_indices = @transform_0, window_bounds = array<i64: 1, 8, 2048>}, {transform_indices = @transform_1, window_bounds = array<i64: 1, 256, 8>}, {transform_indices = @transform_2, window_bounds = array<i64: 1, 256, 2048>}]} {
    %get3A = arith.constant 0 : index
    %get3A_0 = arith.constant 0 : index
    %get3A_1 = arith.constant 0 : index
    %get3A_2 = vector.load %arg3[%get3A, %get3A_0, %get3A_1] : memref<1x256x8xf32, #tpu.memory_space<vmem>>, vector<1x256x8xf32>
    %get3A_3 = vector.shape_cast %get3A_2 : vector<1x256x8xf32> to vector<256x8xf32>
    %get3A_4 = arith.constant 0 : index
    %get3A_5 = arith.constant 0 : index
    %get3A_6 = arith.constant 0 : index
    %get3A_7 = vector.load %arg2[%get3A_4, %get3A_5, %get3A_6] : memref<1x8x2048xf32, #tpu.memory_space<vmem>>, vector<1x8x2048xf32>
    %get3A_8 = vector.shape_cast %get3A_7 : vector<1x8x2048xf32> to vector<8x2048xf32>
    %slice3A = vector.extract_strided_slice %get3A_3 {offsets = [0, 0], sizes = [256, 1], strides = [1, 1]} : vector<256x8xf32> to vector<256x1xf32>
    %slice3A_9 = vector.extract_strided_slice %get3A_8 {offsets = [0, 0], sizes = [1, 2048], strides = [1, 1]} : vector<8x2048xf32> to vector<1x2048xf32>
    %sub3A = vector.broadcast %slice3A : vector<256x1xf32> to vector<256x2048xf32>
    %sub3A_10 = vector.broadcast %slice3A_9 : vector<1x2048xf32> to vector<256x2048xf32>
    %sub3A_11 = arith.subf %sub3A, %sub3A_10 : vector<256x2048xf32>
    %integer_pow3A = arith.mulf %sub3A_11, %sub3A_11 : vector<256x2048xf32>
    %slice3A_12 = vector.extract_strided_slice %get3A_3 {offsets = [0, 1], sizes = [256, 1], strides = [1, 1]} : vector<256x8xf32> to vector<256x1xf32>
    %slice3A_13 = vector.extract_strided_slice %get3A_8 {offsets = [1, 0], sizes = [1, 2048], strides = [1, 1]} : vector<8x2048xf32> to vector<1x2048xf32>
    %sub3A_14 = vector.broadcast %slice3A_12 : vector<256x1xf32> to vector<256x2048xf32>
    %sub3A_15 = vector.broadcast %slice3A_13 : vector<1x2048xf32> to vector<256x2048xf32>
    %sub3A_16 = arith.subf %sub3A_14, %sub3A_15 : vector<256x2048xf32>
    %integer_pow3A_17 = arith.mulf %sub3A_16, %sub3A_16 : vector<256x2048xf32>
    %add3A = arith.addf %integer_pow3A, %integer_pow3A_17 : vector<256x2048xf32>
    %slice3A_18 = vector.extract_strided_slice %get3A_3 {offsets = [0, 2], sizes = [256, 1], strides = [1, 1]} : vector<256x8xf32> to vector<256x1xf32>
    %slice3A_19 = vector.extract_strided_slice %get3A_8 {offsets = [2, 0], sizes = [1, 2048], strides = [1, 1]} : vector<8x2048xf32> to vector<1x2048xf32>
    %sub3A_20 = vector.broadcast %slice3A_18 : vector<256x1xf32> to vector<256x2048xf32>
    %sub3A_21 = vector.broadcast %slice3A_19 : vector<1x2048xf32> to vector<256x2048xf32>
    %sub3A_22 = arith.subf %sub3A_20, %sub3A_21 : vector<256x2048xf32>
    %integer_pow3A_23 = arith.mulf %sub3A_22, %sub3A_22 : vector<256x2048xf32>
    %add3A_24 = arith.addf %add3A, %integer_pow3A_23 : vector<256x2048xf32>
    %swap3A = arith.constant 0 : index
    %swap3A_25 = arith.constant 0 : index
    %swap3A_26 = arith.constant 0 : index
    %swap3A_27 = vector.load %arg4[%swap3A, %swap3A_25, %swap3A_26] : memref<1x256x2048xf32, #tpu.memory_space<vmem>>, vector<1x256x2048xf32>
    %swap3A_28 = vector.shape_cast %swap3A_27 : vector<1x256x2048xf32> to vector<256x2048xf32>
    %swap3A_29 = vector.shape_cast %add3A_24 : vector<256x2048xf32> to vector<1x256x2048xf32>
    tpu.vector_store %arg4[%swap3A, %swap3A_25, %swap3A_26], %swap3A_29 {strides = array<i32>} : memref<1x256x2048xf32, #tpu.memory_space<vmem>>, vector<1x256x2048xf32>,
    return
  }
  func.func @transform_0(%arg0: i32, %arg1: i32) -> (i32, i32, i32) {
    %c0_i32 = arith.constant 0 : i32
    %c0_i32_0 = arith.constant 0 : i32
    %c0_i32_1 = arith.constant 0 : i32
    return %arg0, %c0_i32, %c0_i32_0 : i32, i32, i32
  }
  func.func @transform_1(%arg0: i32, %arg1: i32) -> (i32, i32, i32) {
    %c0_i32 = arith.constant 0 : i32
    %c0_i32_0 = arith.constant 0 : i32
    return %arg0, %arg1, %c0_i32 : i32, i32, i32
  }
  func.func @transform_2(%arg0: i32, %arg1: i32) -> (i32, i32, i32) {
    %c0_i32 = arith.constant 0 : i32
    %c0_i32_0 = arith.constant 0 : i32
    return %arg0, %arg1, %c0_i32 : i32, i32, i32
  }
}

module attributes {stable_mosaic.version = 14 : i64} {
  func.func @_tc_fused_kernel(%arg0: i32, %arg1: i32, %arg2: memref<1x8x2048xf32, #tpu.memory_space<vmem>>, %arg3: memref<1x2048x16xbf16, #tpu.memory_space<vmem>>, %arg4: memref<1x256x8xf32, #tpu.memory_space<vmem>>, %arg5: memref<1x16x256x64xf32, #tpu.memory_space<vmem>>, %arg6: memref<8x64xf32, #tpu.memory_space<vmem>>, %arg7: memref<1x64xf32, #tpu.memory_space<vmem>>, %arg8: memref<64x64xf32, #tpu.memory_space<vmem>>, %arg9: memref<1x64xf32, #tpu.memory_space<vmem>>, %arg10: memref<1x16x256x64xf32, #tpu.memory_space<vmem>>) attributes {dimension_semantics = [#tpu.dimension_semantics<arbitrary>, #tpu.dimension_semantics<arbitrary>], iteration_bounds = array<i64: 3, 8>, scalar_prefetch = 0 : i64, scratch_operands = 0 : i64, tpu.core_type = #tpu.core_type<tc>, window_params = [{transform_indices = @transform_0, window_bounds = array<i64: 1, 8, 2048>}, {transform_indices = @transform_1, window_bounds = array<i64: 1, 2048, 16>}, {transform_indices = @transform_2, window_bounds = array<i64: 1, 256, 8>}, {transform_indices = @transform_3, window_bounds = array<i64: 1, 16, 256, 64>}, {pipeline_mode = #tpu.pipeline_mode<synchronous>, transform_indices = @transform_4, window_bounds = array<i64: 8, 64>}, {pipeline_mode = #tpu.pipeline_mode<synchronous>, transform_indices = @transform_5, window_bounds = array<i64: 1, 64>}, {pipeline_mode = #tpu.pipeline_mode<synchronous>, transform_indices = @transform_6, window_bounds = array<i64: 64, 64>}, {pipeline_mode = #tpu.pipeline_mode<synchronous>, transform_indices = @transform_7, window_bounds = array<i64: 1, 64>}, {transform_indices = @transform_8, window_bounds = array<i64: 1, 16, 256, 64>}]} {
    %get3A = arith.constant 0 : index
    %get3A_0 = arith.constant 0 : index
    %get3A_1 = arith.constant 0 : index
    %get3A_2 = vector.load %arg2[%get3A, %get3A_0, %get3A_1] : memref<1x8x2048xf32, #tpu.memory_space<vmem>>, vector<1x8x2048xf32>
    %get3A_3 = vector.shape_cast %get3A_2 : vector<1x8x2048xf32> to vector<8x2048xf32>
    %get3A_4 = arith.constant 0 : index
    %get3A_5 = arith.constant 0 : index
    %get3A_6 = arith.constant 0 : index
    %get3A_7 = vector.load %arg3[%get3A_4, %get3A_5, %get3A_6] : memref<1x2048x16xbf16, #tpu.memory_space<vmem>>, vector<1x2048x16xbf16>
    %get3A_8 = vector.shape_cast %get3A_7 : vector<1x2048x16xbf16> to vector<2048x16xbf16>
    %get3A_9 = arith.constant 0 : index
    %get3A_10 = arith.constant 0 : index
    %get3A_11 = arith.constant 0 : index
    %get3A_12 = vector.load %arg4[%get3A_9, %get3A_10, %get3A_11] : memref<1x256x8xf32, #tpu.memory_space<vmem>>, vector<1x256x8xf32>
    %get3A_13 = vector.shape_cast %get3A_12 : vector<1x256x8xf32> to vector<256x8xf32>
    %slice3A = vector.extract_strided_slice %get3A_13 {offsets = [0, 0], sizes = [256, 1], strides = [1, 1]} : vector<256x8xf32> to vector<256x1xf32>
    %slice3A_14 = vector.extract_strided_slice %get3A_3 {offsets = [0, 0], sizes = [1, 2048], strides = [1, 1]} : vector<8x2048xf32> to vector<1x2048xf32>
    %sub3A = vector.broadcast %slice3A : vector<256x1xf32> to vector<256x2048xf32>
    %sub3A_15 = vector.broadcast %slice3A_14 : vector<1x2048xf32> to vector<256x2048xf32>
    %sub3A_16 = arith.subf %sub3A, %sub3A_15 : vector<256x2048xf32>
    %integer_pow3A = arith.mulf %sub3A_16, %sub3A_16 : vector<256x2048xf32>
    %slice3A_17 = vector.extract_strided_slice %get3A_13 {offsets = [0, 1], sizes = [256, 1], strides = [1, 1]} : vector<256x8xf32> to vector<256x1xf32>
    %slice3A_18 = vector.extract_strided_slice %get3A_3 {offsets = [1, 0], sizes = [1, 2048], strides = [1, 1]} : vector<8x2048xf32> to vector<1x2048xf32>
    %sub3A_19 = vector.broadcast %slice3A_17 : vector<256x1xf32> to vector<256x2048xf32>
    %sub3A_20 = vector.broadcast %slice3A_18 : vector<1x2048xf32> to vector<256x2048xf32>
    %sub3A_21 = arith.subf %sub3A_19, %sub3A_20 : vector<256x2048xf32>
    %integer_pow3A_22 = arith.mulf %sub3A_21, %sub3A_21 : vector<256x2048xf32>
    %add3A = arith.addf %integer_pow3A, %integer_pow3A_22 : vector<256x2048xf32>
    %slice3A_23 = vector.extract_strided_slice %get3A_13 {offsets = [0, 2], sizes = [256, 1], strides = [1, 1]} : vector<256x8xf32> to vector<256x1xf32>
    %slice3A_24 = vector.extract_strided_slice %get3A_3 {offsets = [2, 0], sizes = [1, 2048], strides = [1, 1]} : vector<8x2048xf32> to vector<1x2048xf32>
    %sub3A_25 = vector.broadcast %slice3A_23 : vector<256x1xf32> to vector<256x2048xf32>
    %sub3A_26 = vector.broadcast %slice3A_24 : vector<1x2048xf32> to vector<256x2048xf32>
    %sub3A_27 = arith.subf %sub3A_25, %sub3A_26 : vector<256x2048xf32>
    %integer_pow3A_28 = arith.mulf %sub3A_27, %sub3A_27 : vector<256x2048xf32>
    %add3A_29 = arith.addf %add3A, %integer_pow3A_28 : vector<256x2048xf32>
    %reduce_min3A = arith.constant dense<0x7F800000> : vector<256xf32>
    %reduce_min3A_30 = vector.multi_reduction <minimumf>, %add3A_29, %reduce_min3A [1] : vector<256x2048xf32> to vector<256xf32>
    %broadcast_in_dim3A = vector.shape_cast %reduce_min3A_30 : vector<256xf32> to vector<256x1xf32>
    %eq3A = vector.broadcast %broadcast_in_dim3A : vector<256x1xf32> to vector<256x2048xf32>
    %eq3A_31 = arith.cmpf oeq, %add3A_29, %eq3A : vector<256x2048xf32>
    %jit3A = arith.constant 0x7F800000 : f32
    %broadcast_in_dim3A_32 = vector.broadcast %jit3A : f32 to vector<256x2048xf32>
    %select_n3A = arith.select %eq3A_31, %broadcast_in_dim3A_32, %add3A_29 : vector<256x2048xi1>, vector<256x2048xf32>
    %reduce_min3A_33 = arith.constant dense<0x7F800000> : vector<256xf32>
    %reduce_min3A_34 = vector.multi_reduction <minimumf>, %select_n3A, %reduce_min3A_33 [1] : vector<256x2048xf32> to vector<256xf32>
    %broadcast_in_dim3A_35 = vector.shape_cast %reduce_min3A_34 : vector<256xf32> to vector<256x1xf32>
    %eq3A_36 = vector.broadcast %broadcast_in_dim3A_35 : vector<256x1xf32> to vector<256x2048xf32>
    %eq3A_37 = arith.cmpf oeq, %select_n3A, %eq3A_36 : vector<256x2048xf32>
    %jit3A_38 = arith.constant 0x7F800000 : f32
    %broadcast_in_dim3A_39 = vector.broadcast %jit3A_38 : f32 to vector<256x2048xf32>
    %select_n3A_40 = arith.select %eq3A_37, %broadcast_in_dim3A_39, %select_n3A : vector<256x2048xi1>, vector<256x2048xf32>
    %reduce_min3A_41 = arith.constant dense<0x7F800000> : vector<256xf32>
    %reduce_min3A_42 = vector.multi_reduction <minimumf>, %select_n3A_40, %reduce_min3A_41 [1] : vector<256x2048xf32> to vector<256xf32>
    %broadcast_in_dim3A_43 = vector.shape_cast %reduce_min3A_42 : vector<256xf32> to vector<256x1xf32>
    %eq3A_44 = vector.broadcast %broadcast_in_dim3A_43 : vector<256x1xf32> to vector<256x2048xf32>
    %eq3A_45 = arith.cmpf oeq, %select_n3A_40, %eq3A_44 : vector<256x2048xf32>
    %jit3A_46 = arith.constant 0x7F800000 : f32
    %broadcast_in_dim3A_47 = vector.broadcast %jit3A_46 : f32 to vector<256x2048xf32>
    %select_n3A_48 = arith.select %eq3A_45, %broadcast_in_dim3A_47, %select_n3A_40 : vector<256x2048xi1>, vector<256x2048xf32>
    %reduce_min3A_49 = arith.constant dense<0x7F800000> : vector<256xf32>
    %reduce_min3A_50 = vector.multi_reduction <minimumf>, %select_n3A_48, %reduce_min3A_49 [1] : vector<256x2048xf32> to vector<256xf32>
    %broadcast_in_dim3A_51 = vector.shape_cast %reduce_min3A_50 : vector<256xf32> to vector<256x1xf32>
    %eq3A_52 = vector.broadcast %broadcast_in_dim3A_51 : vector<256x1xf32> to vector<256x2048xf32>
    %eq3A_53 = arith.cmpf oeq, %select_n3A_48, %eq3A_52 : vector<256x2048xf32>
    %jit3A_54 = arith.constant 0x7F800000 : f32
    %broadcast_in_dim3A_55 = vector.broadcast %jit3A_54 : f32 to vector<256x2048xf32>
    %select_n3A_56 = arith.select %eq3A_53, %broadcast_in_dim3A_55, %select_n3A_48 : vector<256x2048xi1>, vector<256x2048xf32>
    %reduce_min3A_57 = arith.constant dense<0x7F800000> : vector<256xf32>
    %reduce_min3A_58 = vector.multi_reduction <minimumf>, %select_n3A_56, %reduce_min3A_57 [1] : vector<256x2048xf32> to vector<256xf32>
    %broadcast_in_dim3A_59 = vector.shape_cast %reduce_min3A_58 : vector<256xf32> to vector<256x1xf32>
    %eq3A_60 = vector.broadcast %broadcast_in_dim3A_59 : vector<256x1xf32> to vector<256x2048xf32>
    %eq3A_61 = arith.cmpf oeq, %select_n3A_56, %eq3A_60 : vector<256x2048xf32>
    %jit3A_62 = arith.constant 0x7F800000 : f32
    %broadcast_in_dim3A_63 = vector.broadcast %jit3A_62 : f32 to vector<256x2048xf32>
    %select_n3A_64 = arith.select %eq3A_61, %broadcast_in_dim3A_63, %select_n3A_56 : vector<256x2048xi1>, vector<256x2048xf32>
    %reduce_min3A_65 = arith.constant dense<0x7F800000> : vector<256xf32>
    %reduce_min3A_66 = vector.multi_reduction <minimumf>, %select_n3A_64, %reduce_min3A_65 [1] : vector<256x2048xf32> to vector<256xf32>
    %broadcast_in_dim3A_67 = vector.shape_cast %reduce_min3A_66 : vector<256xf32> to vector<256x1xf32>
    %eq3A_68 = vector.broadcast %broadcast_in_dim3A_67 : vector<256x1xf32> to vector<256x2048xf32>
    %eq3A_69 = arith.cmpf oeq, %select_n3A_64, %eq3A_68 : vector<256x2048xf32>
    %jit3A_70 = arith.constant 0x7F800000 : f32
    %broadcast_in_dim3A_71 = vector.broadcast %jit3A_70 : f32 to vector<256x2048xf32>
    %select_n3A_72 = arith.select %eq3A_69, %broadcast_in_dim3A_71, %select_n3A_64 : vector<256x2048xi1>, vector<256x2048xf32>
    %reduce_min3A_73 = arith.constant dense<0x7F800000> : vector<256xf32>
    %reduce_min3A_74 = vector.multi_reduction <minimumf>, %select_n3A_72, %reduce_min3A_73 [1] : vector<256x2048xf32> to vector<256xf32>
    %broadcast_in_dim3A_75 = vector.shape_cast %reduce_min3A_74 : vector<256xf32> to vector<256x1xf32>
    %eq3A_76 = vector.broadcast %broadcast_in_dim3A_75 : vector<256x1xf32> to vector<256x2048xf32>
    %eq3A_77 = arith.cmpf oeq, %select_n3A_72, %eq3A_76 : vector<256x2048xf32>
    %jit3A_78 = arith.constant 0x7F800000 : f32
    %broadcast_in_dim3A_79 = vector.broadcast %jit3A_78 : f32 to vector<256x2048xf32>
    %select_n3A_80 = arith.select %eq3A_77, %broadcast_in_dim3A_79, %select_n3A_72 : vector<256x2048xi1>, vector<256x2048xf32>
    %reduce_min3A_81 = arith.constant dense<0x7F800000> : vector<256xf32>
    %reduce_min3A_82 = vector.multi_reduction <minimumf>, %select_n3A_80, %reduce_min3A_81 [1] : vector<256x2048xf32> to vector<256xf32>
    %broadcast_in_dim3A_83 = vector.shape_cast %reduce_min3A_82 : vector<256xf32> to vector<256x1xf32>
    %eq3A_84 = vector.broadcast %broadcast_in_dim3A_83 : vector<256x1xf32> to vector<256x2048xf32>
    %eq3A_85 = arith.cmpf oeq, %select_n3A_80, %eq3A_84 : vector<256x2048xf32>
    %jit3A_86 = arith.constant 0x7F800000 : f32
    %broadcast_in_dim3A_87 = vector.broadcast %jit3A_86 : f32 to vector<256x2048xf32>
    %select_n3A_88 = arith.select %eq3A_85, %broadcast_in_dim3A_87, %select_n3A_80 : vector<256x2048xi1>, vector<256x2048xf32>
    %reduce_min3A_89 = arith.constant dense<0x7F800000> : vector<256xf32>
    %reduce_min3A_90 = vector.multi_reduction <minimumf>, %select_n3A_88, %reduce_min3A_89 [1] : vector<256x2048xf32> to vector<256xf32>
    %broadcast_in_dim3A_91 = vector.shape_cast %reduce_min3A_90 : vector<256xf32> to vector<256x1xf32>
    %eq3A_92 = vector.broadcast %broadcast_in_dim3A_91 : vector<256x1xf32> to vector<256x2048xf32>
    %eq3A_93 = arith.cmpf oeq, %select_n3A_88, %eq3A_92 : vector<256x2048xf32>
    %jit3A_94 = arith.constant 0x7F800000 : f32
    %broadcast_in_dim3A_95 = vector.broadcast %jit3A_94 : f32 to vector<256x2048xf32>
    %select_n3A_96 = arith.select %eq3A_93, %broadcast_in_dim3A_95, %select_n3A_88 : vector<256x2048xi1>, vector<256x2048xf32>
    %reduce_min3A_97 = arith.constant dense<0x7F800000> : vector<256xf32>
    %reduce_min3A_98 = vector.multi_reduction <minimumf>, %select_n3A_96, %reduce_min3A_97 [1] : vector<256x2048xf32> to vector<256xf32>
    %broadcast_in_dim3A_99 = vector.shape_cast %reduce_min3A_98 : vector<256xf32> to vector<256x1xf32>
    %eq3A_100 = vector.broadcast %broadcast_in_dim3A_99 : vector<256x1xf32> to vector<256x2048xf32>
    %eq3A_101 = arith.cmpf oeq, %select_n3A_96, %eq3A_100 : vector<256x2048xf32>
    %jit3A_102 = arith.constant 0x7F800000 : f32
    %broadcast_in_dim3A_103 = vector.broadcast %jit3A_102 : f32 to vector<256x2048xf32>
    %select_n3A_104 = arith.select %eq3A_101, %broadcast_in_dim3A_103, %select_n3A_96 : vector<256x2048xi1>, vector<256x2048xf32>
    %reduce_min3A_105 = arith.constant dense<0x7F800000> : vector<256xf32>
    %reduce_min3A_106 = vector.multi_reduction <minimumf>, %select_n3A_104, %reduce_min3A_105 [1] : vector<256x2048xf32> to vector<256xf32>
    %broadcast_in_dim3A_107 = vector.shape_cast %reduce_min3A_106 : vector<256xf32> to vector<256x1xf32>
    %eq3A_108 = vector.broadcast %broadcast_in_dim3A_107 : vector<256x1xf32> to vector<256x2048xf32>
    %eq3A_109 = arith.cmpf oeq, %select_n3A_104, %eq3A_108 : vector<256x2048xf32>
    %jit3A_110 = arith.constant 0x7F800000 : f32
    %broadcast_in_dim3A_111 = vector.broadcast %jit3A_110 : f32 to vector<256x2048xf32>
    %select_n3A_112 = arith.select %eq3A_109, %broadcast_in_dim3A_111, %select_n3A_104 : vector<256x2048xi1>, vector<256x2048xf32>
    %reduce_min3A_113 = arith.constant dense<0x7F800000> : vector<256xf32>
    %reduce_min3A_114 = vector.multi_reduction <minimumf>, %select_n3A_112, %reduce_min3A_113 [1] : vector<256x2048xf32> to vector<256xf32>
    %broadcast_in_dim3A_115 = vector.shape_cast %reduce_min3A_114 : vector<256xf32> to vector<256x1xf32>
    %eq3A_116 = vector.broadcast %broadcast_in_dim3A_115 : vector<256x1xf32> to vector<256x2048xf32>
    %eq3A_117 = arith.cmpf oeq, %select_n3A_112, %eq3A_116 : vector<256x2048xf32>
    %jit3A_118 = arith.constant 0x7F800000 : f32
    %broadcast_in_dim3A_119 = vector.broadcast %jit3A_118 : f32 to vector<256x2048xf32>
    %select_n3A_120 = arith.select %eq3A_117, %broadcast_in_dim3A_119, %select_n3A_112 : vector<256x2048xi1>, vector<256x2048xf32>
    %reduce_min3A_121 = arith.constant dense<0x7F800000> : vector<256xf32>
    %reduce_min3A_122 = vector.multi_reduction <minimumf>, %select_n3A_120, %reduce_min3A_121 [1] : vector<256x2048xf32> to vector<256xf32>
    %broadcast_in_dim3A_123 = vector.shape_cast %reduce_min3A_122 : vector<256xf32> to vector<256x1xf32>
    %eq3A_124 = vector.broadcast %broadcast_in_dim3A_123 : vector<256x1xf32> to vector<256x2048xf32>
    %eq3A_125 = arith.cmpf oeq, %select_n3A_120, %eq3A_124 : vector<256x2048xf32>
    %jit3A_126 = arith.constant 0x7F800000 : f32
    %broadcast_in_dim3A_127 = vector.broadcast %jit3A_126 : f32 to vector<256x2048xf32>
    %select_n3A_128 = arith.select %eq3A_125, %broadcast_in_dim3A_127, %select_n3A_120 : vector<256x2048xi1>, vector<256x2048xf32>
    %reduce_min3A_129 = arith.constant dense<0x7F800000> : vector<256xf32>
    %reduce_min3A_130 = vector.multi_reduction <minimumf>, %select_n3A_128, %reduce_min3A_129 [1] : vector<256x2048xf32> to vector<256xf32>
    %broadcast_in_dim3A_131 = vector.shape_cast %reduce_min3A_130 : vector<256xf32> to vector<256x1xf32>
    %eq3A_132 = vector.broadcast %broadcast_in_dim3A_131 : vector<256x1xf32> to vector<256x2048xf32>
    %eq3A_133 = arith.cmpf oeq, %select_n3A_128, %eq3A_132 : vector<256x2048xf32>
    %jit3A_134 = arith.constant 0x7F800000 : f32
    %broadcast_in_dim3A_135 = vector.broadcast %jit3A_134 : f32 to vector<256x2048xf32>
    %select_n3A_136 = arith.select %eq3A_133, %broadcast_in_dim3A_135, %select_n3A_128 : vector<256x2048xi1>, vector<256x2048xf32>
    %reduce_min3A_137 = arith.constant dense<0x7F800000> : vector<256xf32>
    %reduce_min3A_138 = vector.multi_reduction <minimumf>, %select_n3A_136, %reduce_min3A_137 [1] : vector<256x2048xf32> to vector<256xf32>
    %broadcast_in_dim3A_139 = vector.shape_cast %reduce_min3A_138 : vector<256xf32> to vector<256x1xf32>
    %eq3A_140 = vector.broadcast %broadcast_in_dim3A_139 : vector<256x1xf32> to vector<256x2048xf32>
    %eq3A_141 = arith.cmpf oeq, %select_n3A_136, %eq3A_140 : vector<256x2048xf32>
    %jit3A_142 = arith.constant 0x7F800000 : f32
    %broadcast_in_dim3A_143 = vector.broadcast %jit3A_142 : f32 to vector<256x2048xf32>
    %select_n3A_144 = arith.select %eq3A_141, %broadcast_in_dim3A_143, %select_n3A_136 : vector<256x2048xi1>, vector<256x2048xf32>
    %reduce_min3A_145 = arith.constant dense<0x7F800000> : vector<256xf32>
    %reduce_min3A_146 = vector.multi_reduction <minimumf>, %select_n3A_144, %reduce_min3A_145 [1] : vector<256x2048xf32> to vector<256xf32>
    %broadcast_in_dim3A_147 = vector.shape_cast %reduce_min3A_146 : vector<256xf32> to vector<256x1xf32>
    %eq3A_148 = vector.broadcast %broadcast_in_dim3A : vector<256x1xf32> to vector<256x2048xf32>
    %eq3A_149 = arith.cmpf oeq, %add3A_29, %eq3A_148 : vector<256x2048xf32>
    %convert_element_type3A = arith.extui %eq3A_149 : vector<256x2048xi1> to vector<256x2048xi32>
    %convert_element_type3A_150 = arith.sitofp %convert_element_type3A : vector<256x2048xi32> to vector<256x2048xf32>
    %convert_element_type3A_151 = arith.truncf %convert_element_type3A_150 : vector<256x2048xf32> to vector<256x2048xbf16>
    %dot_general3A = arith.constant dense<0.000000e+00> : vector<256x16xf32>
    %dot_general3A_152 = tpu.matmul %convert_element_type3A_151, %get3A_8, %dot_general3A {dimension_numbers = #tpu.dot_dimension_numbers<[1], [0], [0], [1], [0, 0, 1, 1], [], []>, transpose_lhs_hint = false} : vector<256x2048xbf16>, vector<2048x16xbf16>, vector<256x16xf32> -> vector<256x16xf32>
    %slice3A_153 = vector.extract_strided_slice %dot_general3A_152 {offsets = [0, 0], sizes = [256, 8], strides = [1, 1]} : vector<256x16xf32> to vector<256x8xf32>
    %slice3A_154 = vector.extract_strided_slice %dot_general3A_152 {offsets = [0, 8], sizes = [256, 8], strides = [1, 1]} : vector<256x16xf32> to vector<256x8xf32>
    %add3A_155 = arith.addf %slice3A_153, %slice3A_154 : vector<256x8xf32>
    %sub3A_156 = arith.subf %get3A_13, %add3A_155 : vector<256x8xf32>
    %eq3A_157 = vector.broadcast %broadcast_in_dim3A_35 : vector<256x1xf32> to vector<256x2048xf32>
    %eq3A_158 = arith.cmpf oeq, %add3A_29, %eq3A_157 : vector<256x2048xf32>
    %convert_element_type3A_159 = arith.extui %eq3A_158 : vector<256x2048xi1> to vector<256x2048xi32>
    %convert_element_type3A_160 = arith.sitofp %convert_element_type3A_159 : vector<256x2048xi32> to vector<256x2048xf32>
    %convert_element_type3A_161 = arith.truncf %convert_element_type3A_160 : vector<256x2048xf32> to vector<256x2048xbf16>
    %dot_general3A_162 = arith.constant dense<0.000000e+00> : vector<256x16xf32>
    %dot_general3A_163 = tpu.matmul %convert_element_type3A_161, %get3A_8, %dot_general3A_162 {dimension_numbers = #tpu.dot_dimension_numbers<[1], [0], [0], [1], [0, 0, 1, 1], [], []>, transpose_lhs_hint = false} : vector<256x2048xbf16>, vector<2048x16xbf16>, vector<256x16xf32> -> vector<256x16xf32>
    %slice3A_164 = vector.extract_strided_slice %dot_general3A_163 {offsets = [0, 0], sizes = [256, 8], strides = [1, 1]} : vector<256x16xf32> to vector<256x8xf32>
    %slice3A_165 = vector.extract_strided_slice %dot_general3A_163 {offsets = [0, 8], sizes = [256, 8], strides = [1, 1]} : vector<256x16xf32> to vector<256x8xf32>
    %add3A_166 = arith.addf %slice3A_164, %slice3A_165 : vector<256x8xf32>
    %sub3A_167 = arith.subf %get3A_13, %add3A_166 : vector<256x8xf32>
    %eq3A_168 = vector.broadcast %broadcast_in_dim3A_43 : vector<256x1xf32> to vector<256x2048xf32>
    %eq3A_169 = arith.cmpf oeq, %add3A_29, %eq3A_168 : vector<256x2048xf32>
    %convert_element_type3A_170 = arith.extui %eq3A_169 : vector<256x2048xi1> to vector<256x2048xi32>
    %convert_element_type3A_171 = arith.sitofp %convert_element_type3A_170 : vector<256x2048xi32> to vector<256x2048xf32>
    %convert_element_type3A_172 = arith.truncf %convert_element_type3A_171 : vector<256x2048xf32> to vector<256x2048xbf16>
    %dot_general3A_173 = arith.constant dense<0.000000e+00> : vector<256x16xf32>
    %dot_general3A_174 = tpu.matmul %convert_element_type3A_172, %get3A_8, %dot_general3A_173 {dimension_numbers = #tpu.dot_dimension_numbers<[1], [0], [0], [1], [0, 0, 1, 1], [], []>, transpose_lhs_hint = false} : vector<256x2048xbf16>, vector<2048x16xbf16>, vector<256x16xf32> -> vector<256x16xf32>
    %slice3A_175 = vector.extract_strided_slice %dot_general3A_174 {offsets = [0, 0], sizes = [256, 8], strides = [1, 1]} : vector<256x16xf32> to vector<256x8xf32>
    %slice3A_176 = vector.extract_strided_slice %dot_general3A_174 {offsets = [0, 8], sizes = [256, 8], strides = [1, 1]} : vector<256x16xf32> to vector<256x8xf32>
    %add3A_177 = arith.addf %slice3A_175, %slice3A_176 : vector<256x8xf32>
    %sub3A_178 = arith.subf %get3A_13, %add3A_177 : vector<256x8xf32>
    %eq3A_179 = vector.broadcast %broadcast_in_dim3A_51 : vector<256x1xf32> to vector<256x2048xf32>
    %eq3A_180 = arith.cmpf oeq, %add3A_29, %eq3A_179 : vector<256x2048xf32>
    %convert_element_type3A_181 = arith.extui %eq3A_180 : vector<256x2048xi1> to vector<256x2048xi32>
    %convert_element_type3A_182 = arith.sitofp %convert_element_type3A_181 : vector<256x2048xi32> to vector<256x2048xf32>
    %convert_element_type3A_183 = arith.truncf %convert_element_type3A_182 : vector<256x2048xf32> to vector<256x2048xbf16>
    %dot_general3A_184 = arith.constant dense<0.000000e+00> : vector<256x16xf32>
    %dot_general3A_185 = tpu.matmul %convert_element_type3A_183, %get3A_8, %dot_general3A_184 {dimension_numbers = #tpu.dot_dimension_numbers<[1], [0], [0], [1], [0, 0, 1, 1], [], []>, transpose_lhs_hint = false} : vector<256x2048xbf16>, vector<2048x16xbf16>, vector<256x16xf32> -> vector<256x16xf32>
    %slice3A_186 = vector.extract_strided_slice %dot_general3A_185 {offsets = [0, 0], sizes = [256, 8], strides = [1, 1]} : vector<256x16xf32> to vector<256x8xf32>
    %slice3A_187 = vector.extract_strided_slice %dot_general3A_185 {offsets = [0, 8], sizes = [256, 8], strides = [1, 1]} : vector<256x16xf32> to vector<256x8xf32>
    %add3A_188 = arith.addf %slice3A_186, %slice3A_187 : vector<256x8xf32>
    %sub3A_189 = arith.subf %get3A_13, %add3A_188 : vector<256x8xf32>
    %eq3A_190 = vector.broadcast %broadcast_in_dim3A_59 : vector<256x1xf32> to vector<256x2048xf32>
    %eq3A_191 = arith.cmpf oeq, %add3A_29, %eq3A_190 : vector<256x2048xf32>
    %convert_element_type3A_192 = arith.extui %eq3A_191 : vector<256x2048xi1> to vector<256x2048xi32>
    %convert_element_type3A_193 = arith.sitofp %convert_element_type3A_192 : vector<256x2048xi32> to vector<256x2048xf32>
    %convert_element_type3A_194 = arith.truncf %convert_element_type3A_193 : vector<256x2048xf32> to vector<256x2048xbf16>
    %dot_general3A_195 = arith.constant dense<0.000000e+00> : vector<256x16xf32>
    %dot_general3A_196 = tpu.matmul %convert_element_type3A_194, %get3A_8, %dot_general3A_195 {dimension_numbers = #tpu.dot_dimension_numbers<[1], [0], [0], [1], [0, 0, 1, 1], [], []>, transpose_lhs_hint = false} : vector<256x2048xbf16>, vector<2048x16xbf16>, vector<256x16xf32> -> vector<256x16xf32>
    %slice3A_197 = vector.extract_strided_slice %dot_general3A_196 {offsets = [0, 0], sizes = [256, 8], strides = [1, 1]} : vector<256x16xf32> to vector<256x8xf32>
    %slice3A_198 = vector.extract_strided_slice %dot_general3A_196 {offsets = [0, 8], sizes = [256, 8], strides = [1, 1]} : vector<256x16xf32> to vector<256x8xf32>
    %add3A_199 = arith.addf %slice3A_197, %slice3A_198 : vector<256x8xf32>
    %sub3A_200 = arith.subf %get3A_13, %add3A_199 : vector<256x8xf32>
    %eq3A_201 = vector.broadcast %broadcast_in_dim3A_67 : vector<256x1xf32> to vector<256x2048xf32>
    %eq3A_202 = arith.cmpf oeq, %add3A_29, %eq3A_201 : vector<256x2048xf32>
    %convert_element_type3A_203 = arith.extui %eq3A_202 : vector<256x2048xi1> to vector<256x2048xi32>
    %convert_element_type3A_204 = arith.sitofp %convert_element_type3A_203 : vector<256x2048xi32> to vector<256x2048xf32>
    %convert_element_type3A_205 = arith.truncf %convert_element_type3A_204 : vector<256x2048xf32> to vector<256x2048xbf16>
    %dot_general3A_206 = arith.constant dense<0.000000e+00> : vector<256x16xf32>
    %dot_general3A_207 = tpu.matmul %convert_element_type3A_205, %get3A_8, %dot_general3A_206 {dimension_numbers = #tpu.dot_dimension_numbers<[1], [0], [0], [1], [0, 0, 1, 1], [], []>, transpose_lhs_hint = false} : vector<256x2048xbf16>, vector<2048x16xbf16>, vector<256x16xf32> -> vector<256x16xf32>
    %slice3A_208 = vector.extract_strided_slice %dot_general3A_207 {offsets = [0, 0], sizes = [256, 8], strides = [1, 1]} : vector<256x16xf32> to vector<256x8xf32>
    %slice3A_209 = vector.extract_strided_slice %dot_general3A_207 {offsets = [0, 8], sizes = [256, 8], strides = [1, 1]} : vector<256x16xf32> to vector<256x8xf32>
    %add3A_210 = arith.addf %slice3A_208, %slice3A_209 : vector<256x8xf32>
    %sub3A_211 = arith.subf %get3A_13, %add3A_210 : vector<256x8xf32>
    %eq3A_212 = vector.broadcast %broadcast_in_dim3A_75 : vector<256x1xf32> to vector<256x2048xf32>
    %eq3A_213 = arith.cmpf oeq, %add3A_29, %eq3A_212 : vector<256x2048xf32>
    %convert_element_type3A_214 = arith.extui %eq3A_213 : vector<256x2048xi1> to vector<256x2048xi32>
    %convert_element_type3A_215 = arith.sitofp %convert_element_type3A_214 : vector<256x2048xi32> to vector<256x2048xf32>
    %convert_element_type3A_216 = arith.truncf %convert_element_type3A_215 : vector<256x2048xf32> to vector<256x2048xbf16>
    %dot_general3A_217 = arith.constant dense<0.000000e+00> : vector<256x16xf32>
    %dot_general3A_218 = tpu.matmul %convert_element_type3A_216, %get3A_8, %dot_general3A_217 {dimension_numbers = #tpu.dot_dimension_numbers<[1], [0], [0], [1], [0, 0, 1, 1], [], []>, transpose_lhs_hint = false} : vector<256x2048xbf16>, vector<2048x16xbf16>, vector<256x16xf32> -> vector<256x16xf32>
    %slice3A_219 = vector.extract_strided_slice %dot_general3A_218 {offsets = [0, 0], sizes = [256, 8], strides = [1, 1]} : vector<256x16xf32> to vector<256x8xf32>
    %slice3A_220 = vector.extract_strided_slice %dot_general3A_218 {offsets = [0, 8], sizes = [256, 8], strides = [1, 1]} : vector<256x16xf32> to vector<256x8xf32>
    %add3A_221 = arith.addf %slice3A_219, %slice3A_220 : vector<256x8xf32>
    %sub3A_222 = arith.subf %get3A_13, %add3A_221 : vector<256x8xf32>
    %eq3A_223 = vector.broadcast %broadcast_in_dim3A_83 : vector<256x1xf32> to vector<256x2048xf32>
    %eq3A_224 = arith.cmpf oeq, %add3A_29, %eq3A_223 : vector<256x2048xf32>
    %convert_element_type3A_225 = arith.extui %eq3A_224 : vector<256x2048xi1> to vector<256x2048xi32>
    %convert_element_type3A_226 = arith.sitofp %convert_element_type3A_225 : vector<256x2048xi32> to vector<256x2048xf32>
    %convert_element_type3A_227 = arith.truncf %convert_element_type3A_226 : vector<256x2048xf32> to vector<256x2048xbf16>
    %dot_general3A_228 = arith.constant dense<0.000000e+00> : vector<256x16xf32>
    %dot_general3A_229 = tpu.matmul %convert_element_type3A_227, %get3A_8, %dot_general3A_228 {dimension_numbers = #tpu.dot_dimension_numbers<[1], [0], [0], [1], [0, 0, 1, 1], [], []>, transpose_lhs_hint = false} : vector<256x2048xbf16>, vector<2048x16xbf16>, vector<256x16xf32> -> vector<256x16xf32>
    %slice3A_230 = vector.extract_strided_slice %dot_general3A_229 {offsets = [0, 0], sizes = [256, 8], strides = [1, 1]} : vector<256x16xf32> to vector<256x8xf32>
    %slice3A_231 = vector.extract_strided_slice %dot_general3A_229 {offsets = [0, 8], sizes = [256, 8], strides = [1, 1]} : vector<256x16xf32> to vector<256x8xf32>
    %add3A_232 = arith.addf %slice3A_230, %slice3A_231 : vector<256x8xf32>
    %sub3A_233 = arith.subf %get3A_13, %add3A_232 : vector<256x8xf32>
    %eq3A_234 = vector.broadcast %broadcast_in_dim3A_91 : vector<256x1xf32> to vector<256x2048xf32>
    %eq3A_235 = arith.cmpf oeq, %add3A_29, %eq3A_234 : vector<256x2048xf32>
    %convert_element_type3A_236 = arith.extui %eq3A_235 : vector<256x2048xi1> to vector<256x2048xi32>
    %convert_element_type3A_237 = arith.sitofp %convert_element_type3A_236 : vector<256x2048xi32> to vector<256x2048xf32>
    %convert_element_type3A_238 = arith.truncf %convert_element_type3A_237 : vector<256x2048xf32> to vector<256x2048xbf16>
    %dot_general3A_239 = arith.constant dense<0.000000e+00> : vector<256x16xf32>
    %dot_general3A_240 = tpu.matmul %convert_element_type3A_238, %get3A_8, %dot_general3A_239 {dimension_numbers = #tpu.dot_dimension_numbers<[1], [0], [0], [1], [0, 0, 1, 1], [], []>, transpose_lhs_hint = false} : vector<256x2048xbf16>, vector<2048x16xbf16>, vector<256x16xf32> -> vector<256x16xf32>
    %slice3A_241 = vector.extract_strided_slice %dot_general3A_240 {offsets = [0, 0], sizes = [256, 8], strides = [1, 1]} : vector<256x16xf32> to vector<256x8xf32>
    %slice3A_242 = vector.extract_strided_slice %dot_general3A_240 {offsets = [0, 8], sizes = [256, 8], strides = [1, 1]} : vector<256x16xf32> to vector<256x8xf32>
    %add3A_243 = arith.addf %slice3A_241, %slice3A_242 : vector<256x8xf32>
    %sub3A_244 = arith.subf %get3A_13, %add3A_243 : vector<256x8xf32>
    %eq3A_245 = vector.broadcast %broadcast_in_dim3A_99 : vector<256x1xf32> to vector<256x2048xf32>
    %eq3A_246 = arith.cmpf oeq, %add3A_29, %eq3A_245 : vector<256x2048xf32>
    %convert_element_type3A_247 = arith.extui %eq3A_246 : vector<256x2048xi1> to vector<256x2048xi32>
    %convert_element_type3A_248 = arith.sitofp %convert_element_type3A_247 : vector<256x2048xi32> to vector<256x2048xf32>
    %convert_element_type3A_249 = arith.truncf %convert_element_type3A_248 : vector<256x2048xf32> to vector<256x2048xbf16>
    %dot_general3A_250 = arith.constant dense<0.000000e+00> : vector<256x16xf32>
    %dot_general3A_251 = tpu.matmul %convert_element_type3A_249, %get3A_8, %dot_general3A_250 {dimension_numbers = #tpu.dot_dimension_numbers<[1], [0], [0], [1], [0, 0, 1, 1], [], []>, transpose_lhs_hint = false} : vector<256x2048xbf16>, vector<2048x16xbf16>, vector<256x16xf32> -> vector<256x16xf32>
    %slice3A_252 = vector.extract_strided_slice %dot_general3A_251 {offsets = [0, 0], sizes = [256, 8], strides = [1, 1]} : vector<256x16xf32> to vector<256x8xf32>
    %slice3A_253 = vector.extract_strided_slice %dot_general3A_251 {offsets = [0, 8], sizes = [256, 8], strides = [1, 1]} : vector<256x16xf32> to vector<256x8xf32>
    %add3A_254 = arith.addf %slice3A_252, %slice3A_253 : vector<256x8xf32>
    %sub3A_255 = arith.subf %get3A_13, %add3A_254 : vector<256x8xf32>
    %eq3A_256 = vector.broadcast %broadcast_in_dim3A_107 : vector<256x1xf32> to vector<256x2048xf32>
    %eq3A_257 = arith.cmpf oeq, %add3A_29, %eq3A_256 : vector<256x2048xf32>
    %convert_element_type3A_258 = arith.extui %eq3A_257 : vector<256x2048xi1> to vector<256x2048xi32>
    %convert_element_type3A_259 = arith.sitofp %convert_element_type3A_258 : vector<256x2048xi32> to vector<256x2048xf32>
    %convert_element_type3A_260 = arith.truncf %convert_element_type3A_259 : vector<256x2048xf32> to vector<256x2048xbf16>
    %dot_general3A_261 = arith.constant dense<0.000000e+00> : vector<256x16xf32>
    %dot_general3A_262 = tpu.matmul %convert_element_type3A_260, %get3A_8, %dot_general3A_261 {dimension_numbers = #tpu.dot_dimension_numbers<[1], [0], [0], [1], [0, 0, 1, 1], [], []>, transpose_lhs_hint = false} : vector<256x2048xbf16>, vector<2048x16xbf16>, vector<256x16xf32> -> vector<256x16xf32>
    %slice3A_263 = vector.extract_strided_slice %dot_general3A_262 {offsets = [0, 0], sizes = [256, 8], strides = [1, 1]} : vector<256x16xf32> to vector<256x8xf32>
    %slice3A_264 = vector.extract_strided_slice %dot_general3A_262 {offsets = [0, 8], sizes = [256, 8], strides = [1, 1]} : vector<256x16xf32> to vector<256x8xf32>
    %add3A_265 = arith.addf %slice3A_263, %slice3A_264 : vector<256x8xf32>
    %sub3A_266 = arith.subf %get3A_13, %add3A_265 : vector<256x8xf32>
    %eq3A_267 = vector.broadcast %broadcast_in_dim3A_115 : vector<256x1xf32> to vector<256x2048xf32>
    %eq3A_268 = arith.cmpf oeq, %add3A_29, %eq3A_267 : vector<256x2048xf32>
    %convert_element_type3A_269 = arith.extui %eq3A_268 : vector<256x2048xi1> to vector<256x2048xi32>
    %convert_element_type3A_270 = arith.sitofp %convert_element_type3A_269 : vector<256x2048xi32> to vector<256x2048xf32>
    %convert_element_type3A_271 = arith.truncf %convert_element_type3A_270 : vector<256x2048xf32> to vector<256x2048xbf16>
    %dot_general3A_272 = arith.constant dense<0.000000e+00> : vector<256x16xf32>
    %dot_general3A_273 = tpu.matmul %convert_element_type3A_271, %get3A_8, %dot_general3A_272 {dimension_numbers = #tpu.dot_dimension_numbers<[1], [0], [0], [1], [0, 0, 1, 1], [], []>, transpose_lhs_hint = false} : vector<256x2048xbf16>, vector<2048x16xbf16>, vector<256x16xf32> -> vector<256x16xf32>
    %slice3A_274 = vector.extract_strided_slice %dot_general3A_273 {offsets = [0, 0], sizes = [256, 8], strides = [1, 1]} : vector<256x16xf32> to vector<256x8xf32>
    %slice3A_275 = vector.extract_strided_slice %dot_general3A_273 {offsets = [0, 8], sizes = [256, 8], strides = [1, 1]} : vector<256x16xf32> to vector<256x8xf32>
    %add3A_276 = arith.addf %slice3A_274, %slice3A_275 : vector<256x8xf32>
    %sub3A_277 = arith.subf %get3A_13, %add3A_276 : vector<256x8xf32>
    %eq3A_278 = vector.broadcast %broadcast_in_dim3A_123 : vector<256x1xf32> to vector<256x2048xf32>
    %eq3A_279 = arith.cmpf oeq, %add3A_29, %eq3A_278 : vector<256x2048xf32>
    %convert_element_type3A_280 = arith.extui %eq3A_279 : vector<256x2048xi1> to vector<256x2048xi32>
    %convert_element_type3A_281 = arith.sitofp %convert_element_type3A_280 : vector<256x2048xi32> to vector<256x2048xf32>
    %convert_element_type3A_282 = arith.truncf %convert_element_type3A_281 : vector<256x2048xf32> to vector<256x2048xbf16>
    %dot_general3A_283 = arith.constant dense<0.000000e+00> : vector<256x16xf32>
    %dot_general3A_284 = tpu.matmul %convert_element_type3A_282, %get3A_8, %dot_general3A_283 {dimension_numbers = #tpu.dot_dimension_numbers<[1], [0], [0], [1], [0, 0, 1, 1], [], []>, transpose_lhs_hint = false} : vector<256x2048xbf16>, vector<2048x16xbf16>, vector<256x16xf32> -> vector<256x16xf32>
    %slice3A_285 = vector.extract_strided_slice %dot_general3A_284 {offsets = [0, 0], sizes = [256, 8], strides = [1, 1]} : vector<256x16xf32> to vector<256x8xf32>
    %slice3A_286 = vector.extract_strided_slice %dot_general3A_284 {offsets = [0, 8], sizes = [256, 8], strides = [1, 1]} : vector<256x16xf32> to vector<256x8xf32>
    %add3A_287 = arith.addf %slice3A_285, %slice3A_286 : vector<256x8xf32>
    %sub3A_288 = arith.subf %get3A_13, %add3A_287 : vector<256x8xf32>
    %eq3A_289 = vector.broadcast %broadcast_in_dim3A_131 : vector<256x1xf32> to vector<256x2048xf32>
    %eq3A_290 = arith.cmpf oeq, %add3A_29, %eq3A_289 : vector<256x2048xf32>
    %convert_element_type3A_291 = arith.extui %eq3A_290 : vector<256x2048xi1> to vector<256x2048xi32>
    %convert_element_type3A_292 = arith.sitofp %convert_element_type3A_291 : vector<256x2048xi32> to vector<256x2048xf32>
    %convert_element_type3A_293 = arith.truncf %convert_element_type3A_292 : vector<256x2048xf32> to vector<256x2048xbf16>
    %dot_general3A_294 = arith.constant dense<0.000000e+00> : vector<256x16xf32>
    %dot_general3A_295 = tpu.matmul %convert_element_type3A_293, %get3A_8, %dot_general3A_294 {dimension_numbers = #tpu.dot_dimension_numbers<[1], [0], [0], [1], [0, 0, 1, 1], [], []>, transpose_lhs_hint = false} : vector<256x2048xbf16>, vector<2048x16xbf16>, vector<256x16xf32> -> vector<256x16xf32>
    %slice3A_296 = vector.extract_strided_slice %dot_general3A_295 {offsets = [0, 0], sizes = [256, 8], strides = [1, 1]} : vector<256x16xf32> to vector<256x8xf32>
    %slice3A_297 = vector.extract_strided_slice %dot_general3A_295 {offsets = [0, 8], sizes = [256, 8], strides = [1, 1]} : vector<256x16xf32> to vector<256x8xf32>
    %add3A_298 = arith.addf %slice3A_296, %slice3A_297 : vector<256x8xf32>
    %sub3A_299 = arith.subf %get3A_13, %add3A_298 : vector<256x8xf32>
    %eq3A_300 = vector.broadcast %broadcast_in_dim3A_139 : vector<256x1xf32> to vector<256x2048xf32>
    %eq3A_301 = arith.cmpf oeq, %add3A_29, %eq3A_300 : vector<256x2048xf32>
    %convert_element_type3A_302 = arith.extui %eq3A_301 : vector<256x2048xi1> to vector<256x2048xi32>
    %convert_element_type3A_303 = arith.sitofp %convert_element_type3A_302 : vector<256x2048xi32> to vector<256x2048xf32>
    %convert_element_type3A_304 = arith.truncf %convert_element_type3A_303 : vector<256x2048xf32> to vector<256x2048xbf16>
    %dot_general3A_305 = arith.constant dense<0.000000e+00> : vector<256x16xf32>
    %dot_general3A_306 = tpu.matmul %convert_element_type3A_304, %get3A_8, %dot_general3A_305 {dimension_numbers = #tpu.dot_dimension_numbers<[1], [0], [0], [1], [0, 0, 1, 1], [], []>, transpose_lhs_hint = false} : vector<256x2048xbf16>, vector<2048x16xbf16>, vector<256x16xf32> -> vector<256x16xf32>
    %slice3A_307 = vector.extract_strided_slice %dot_general3A_306 {offsets = [0, 0], sizes = [256, 8], strides = [1, 1]} : vector<256x16xf32> to vector<256x8xf32>
    %slice3A_308 = vector.extract_strided_slice %dot_general3A_306 {offsets = [0, 8], sizes = [256, 8], strides = [1, 1]} : vector<256x16xf32> to vector<256x8xf32>
    %add3A_309 = arith.addf %slice3A_307, %slice3A_308 : vector<256x8xf32>
    %sub3A_310 = arith.subf %get3A_13, %add3A_309 : vector<256x8xf32>
    %eq3A_311 = vector.broadcast %broadcast_in_dim3A_147 : vector<256x1xf32> to vector<256x2048xf32>
    %eq3A_312 = arith.cmpf oeq, %add3A_29, %eq3A_311 : vector<256x2048xf32>
    %convert_element_type3A_313 = arith.extui %eq3A_312 : vector<256x2048xi1> to vector<256x2048xi32>
    %convert_element_type3A_314 = arith.sitofp %convert_element_type3A_313 : vector<256x2048xi32> to vector<256x2048xf32>
    %convert_element_type3A_315 = arith.truncf %convert_element_type3A_314 : vector<256x2048xf32> to vector<256x2048xbf16>
    %dot_general3A_316 = arith.constant dense<0.000000e+00> : vector<256x16xf32>
    %dot_general3A_317 = tpu.matmul %convert_element_type3A_315, %get3A_8, %dot_general3A_316 {dimension_numbers = #tpu.dot_dimension_numbers<[1], [0], [0], [1], [0, 0, 1, 1], [], []>, transpose_lhs_hint = false} : vector<256x2048xbf16>, vector<2048x16xbf16>, vector<256x16xf32> -> vector<256x16xf32>
    %slice3A_318 = vector.extract_strided_slice %dot_general3A_317 {offsets = [0, 0], sizes = [256, 8], strides = [1, 1]} : vector<256x16xf32> to vector<256x8xf32>
    %slice3A_319 = vector.extract_strided_slice %dot_general3A_317 {offsets = [0, 8], sizes = [256, 8], strides = [1, 1]} : vector<256x16xf32> to vector<256x8xf32>
    %add3A_320 = arith.addf %slice3A_318, %slice3A_319 : vector<256x8xf32>
    %sub3A_321 = arith.subf %get3A_13, %add3A_320 : vector<256x8xf32>
    %concatenate3A = tpu.concatenate %sub3A_156, %sub3A_167, %sub3A_178, %sub3A_189, %sub3A_200, %sub3A_211, %sub3A_222, %sub3A_233, %sub3A_244, %sub3A_255, %sub3A_266, %sub3A_277, %sub3A_288, %sub3A_299, %sub3A_310, %sub3A_321 in 0 : vector<256x8xf32>, vector<256x8xf32>, vector<256x8xf32>, vector<256x8xf32>, vector<256x8xf32>, vector<256x8xf32>, vector<256x8xf32>, vector<256x8xf32>, vector<256x8xf32>, vector<256x8xf32>, vector<256x8xf32>, vector<256x8xf32>, vector<256x8xf32>, vector<256x8xf32>, vector<256x8xf32>, vector<256x8xf32> -> vector<4096x8xf32>
    %get3A_322 = arith.constant 0 : index
    %get3A_323 = arith.constant 0 : index
    %get3A_324 = vector.load %arg6[%get3A_322, %get3A_323] : memref<8x64xf32, #tpu.memory_space<vmem>>, vector<8x64xf32>
    %dot_general3A_325 = arith.constant dense<0.000000e+00> : vector<4096x64xf32>
    %dot_general3A_326 = tpu.matmul %concatenate3A, %get3A_324, %dot_general3A_325 {dimension_numbers = #tpu.dot_dimension_numbers<[1], [0], [0], [1], [0, 0, 1, 1], [], []>, transpose_lhs_hint = false} : vector<4096x8xf32>, vector<8x64xf32>, vector<4096x64xf32> -> vector<4096x64xf32>
    %get3A_327 = arith.constant 0 : index
    %get3A_328 = arith.constant 0 : index
    %get3A_329 = vector.load %arg7[%get3A_327, %get3A_328] : memref<1x64xf32, #tpu.memory_space<vmem>>, vector<1x64xf32>
    %add3A_330 = vector.broadcast %get3A_329 : vector<1x64xf32> to vector<4096x64xf32>
    %add3A_331 = arith.addf %dot_general3A_326, %add3A_330 : vector<4096x64xf32>
    %max3A = arith.constant 0.000000e+00 : f32
    %max3A_332 = vector.broadcast %max3A : f32 to vector<4096x64xf32>
    %max3A_333 = arith.maximumf %add3A_331, %max3A_332 : vector<4096x64xf32>
    %get3A_334 = arith.constant 0 : index
    %get3A_335 = arith.constant 0 : index
    %get3A_336 = vector.load %arg8[%get3A_334, %get3A_335] : memref<64x64xf32, #tpu.memory_space<vmem>>, vector<64x64xf32>
    %dot_general3A_337 = arith.constant dense<0.000000e+00> : vector<4096x64xf32>
    %dot_general3A_338 = tpu.matmul %max3A_333, %get3A_336, %dot_general3A_337 {dimension_numbers = #tpu.dot_dimension_numbers<[1], [0], [0], [1], [0, 0, 1, 1], [], []>, transpose_lhs_hint = false} : vector<4096x64xf32>, vector<64x64xf32>, vector<4096x64xf32> -> vector<4096x64xf32>
    %get3A_339 = arith.constant 0 : index
    %get3A_340 = arith.constant 0 : index
    %get3A_341 = vector.load %arg9[%get3A_339, %get3A_340] : memref<1x64xf32, #tpu.memory_space<vmem>>, vector<1x64xf32>
    %add3A_342 = vector.broadcast %get3A_341 : vector<1x64xf32> to vector<4096x64xf32>
    %add3A_343 = arith.addf %dot_general3A_338, %add3A_342 : vector<4096x64xf32>
    %get3A_344 = arith.constant 0 : index
    %get3A_345 = arith.constant 0 : index
    %get3A_346 = arith.constant 0 : index
    %get3A_347 = arith.constant 0 : index
    %get3A_348 = vector.load %arg5[%get3A_344, %get3A_345, %get3A_346, %get3A_347] : memref<1x16x256x64xf32, #tpu.memory_space<vmem>>, vector<1x16x256x64xf32>
    %get3A_349 = vector.shape_cast %get3A_348 : vector<1x16x256x64xf32> to vector<16x256x64xf32>
    %reshape3A = vector.shape_cast %add3A_343 : vector<4096x64xf32> to vector<16x256x64xf32>
    %add3A_350 = arith.addf %get3A_349, %reshape3A : vector<16x256x64xf32>
    %swap3A = arith.constant 0 : index
    %swap3A_351 = arith.constant 0 : index
    %swap3A_352 = arith.constant 0 : index
    %swap3A_353 = arith.constant 0 : index
    %swap3A_354 = vector.load %arg10[%swap3A, %swap3A_351, %swap3A_352, %swap3A_353] : memref<1x16x256x64xf32, #tpu.memory_space<vmem>>, vector<1x16x256x64xf32>
    %swap3A_355 = vector.shape_cast %swap3A_354 : vector<1x16x256x64xf32> to vector<16x256x64xf32>
    %swap3A_356 = vector.shape_cast %add3A_350 : vector<16x256x64xf32> to vector<1x16x256x64xf32>
    tpu.vector_store %arg10[%swap3A, %swap3A_351, %swap3A_352, %swap3A_353], %swap3A_356 {strides = array<i32>} : memref<1x16x256x64xf32, #tpu.memory_space<vmem>>, vector<1x16x256x64xf32>,
    return
  }
  func.func @transform_0(%arg0: i32, %arg1: i32) -> (i32, i32, i32) {
    %c0_i32 = arith.constant 0 : i32
    %c0_i32_0 = arith.constant 0 : i32
    %c0_i32_1 = arith.constant 0 : i32
    return %arg0, %c0_i32, %c0_i32_0 : i32, i32, i32
  }
  func.func @transform_1(%arg0: i32, %arg1: i32) -> (i32, i32, i32) {
    %c0_i32 = arith.constant 0 : i32
    %c0_i32_0 = arith.constant 0 : i32
    %c0_i32_1 = arith.constant 0 : i32
    return %arg0, %c0_i32, %c0_i32_0 : i32, i32, i32
  }
  func.func @transform_2(%arg0: i32, %arg1: i32) -> (i32, i32, i32) {
    %c0_i32 = arith.constant 0 : i32
    %c0_i32_0 = arith.constant 0 : i32
    return %arg0, %arg1, %c0_i32 : i32, i32, i32
  }
  func.func @transform_3(%arg0: i32, %arg1: i32) -> (i32, i32, i32, i32) {
    %c0_i32 = arith.constant 0 : i32
    %c0_i32_0 = arith.constant 0 : i32
    %c0_i32_1 = arith.constant 0 : i32
    return %arg0, %c0_i32, %arg1, %c0_i32_0 : i32, i32, i32, i32
  }
  func.func @transform_4(%arg0: i32, %arg1: i32) -> (i32, i32) {
    %c0_i32 = arith.constant 0 : i32
    %c0_i32_0 = arith.constant 0 : i32
    %c0_i32_1 = arith.constant 0 : i32
    return %c0_i32, %c0_i32_0 : i32, i32
  }
  func.func @transform_5(%arg0: i32, %arg1: i32) -> (i32, i32) {
    %c0_i32 = arith.constant 0 : i32
    %c0_i32_0 = arith.constant 0 : i32
    %c0_i32_1 = arith.constant 0 : i32
    return %c0_i32, %c0_i32_0 : i32, i32
  }
  func.func @transform_6(%arg0: i32, %arg1: i32) -> (i32, i32) {
    %c0_i32 = arith.constant 0 : i32
    %c0_i32_0 = arith.constant 0 : i32
    %c0_i32_1 = arith.constant 0 : i32
    return %c0_i32, %c0_i32_0 : i32, i32
  }
  func.func @transform_7(%arg0: i32, %arg1: i32) -> (i32, i32) {
    %c0_i32 = arith.constant 0 : i32
    %c0_i32_0 = arith.constant 0 : i32
    %c0_i32_1 = arith.constant 0 : i32
    return %c0_i32, %c0_i32_0 : i32, i32
  }
  func.func @transform_8(%arg0: i32, %arg1: i32) -> (i32, i32, i32, i32) {
    %c0_i32 = arith.constant 0 : i32
    %c0_i32_0 = arith.constant 0 : i32
    %c0_i32_1 = arith.constant 0 : i32
    return %arg0, %c0_i32, %arg1, %c0_i32_0 : i32, i32, i32, i32
  }
}

module attributes {stable_mosaic.version = 14 : i64} {
  func.func @_mlp_kernel(%arg0: i32, %arg1: memref<1x16x64x4xf32, #tpu.memory_space<vmem>>, %arg2: memref<1x16x64x64xf32, #tpu.memory_space<vmem>>, %arg3: memref<4x64xf32, #tpu.memory_space<vmem>>, %arg4: memref<1x64xf32, #tpu.memory_space<vmem>>, %arg5: memref<64x64xf32, #tpu.memory_space<vmem>>, %arg6: memref<1x64xf32, #tpu.memory_space<vmem>>, %arg7: memref<1x16x64x64xf32, #tpu.memory_space<vmem>>) attributes {dimension_semantics = [#tpu.dimension_semantics<arbitrary>], iteration_bounds = array<i64: 32>, scalar_prefetch = 0 : i64, scratch_operands = 0 : i64, tpu.core_type = #tpu.core_type<tc>, window_params = [{transform_indices = @transform_0, window_bounds = array<i64: 1, 16, 64, 4>}, {transform_indices = @transform_1, window_bounds = array<i64: 1, 16, 64, 64>}, {pipeline_mode = #tpu.pipeline_mode<synchronous>, transform_indices = @transform_2, window_bounds = array<i64: 4, 64>}, {pipeline_mode = #tpu.pipeline_mode<synchronous>, transform_indices = @transform_3, window_bounds = array<i64: 1, 64>}, {pipeline_mode = #tpu.pipeline_mode<synchronous>, transform_indices = @transform_4, window_bounds = array<i64: 64, 64>}, {pipeline_mode = #tpu.pipeline_mode<synchronous>, transform_indices = @transform_5, window_bounds = array<i64: 1, 64>}, {transform_indices = @transform_6, window_bounds = array<i64: 1, 16, 64, 64>}]} {
    %get3A = arith.constant 0 : index
    %get3A_0 = arith.constant 0 : index
    %get3A_1 = arith.constant 0 : index
    %get3A_2 = arith.constant 0 : index
    %get3A_3 = vector.load %arg1[%get3A, %get3A_0, %get3A_1, %get3A_2] : memref<1x16x64x4xf32, #tpu.memory_space<vmem>>, vector<1x16x64x4xf32>
    %get3A_4 = vector.shape_cast %get3A_3 : vector<1x16x64x4xf32> to vector<16x64x4xf32>
    %reshape3A = vector.shape_cast %get3A_4 : vector<16x64x4xf32> to vector<1024x4xf32>
    %get3A_5 = arith.constant 0 : index
    %get3A_6 = arith.constant 0 : index
    %get3A_7 = vector.load %arg3[%get3A_5, %get3A_6] : memref<4x64xf32, #tpu.memory_space<vmem>>, vector<4x64xf32>
    %dot_general3A = arith.constant dense<0.000000e+00> : vector<1024x64xf32>
    %dot_general3A_8 = tpu.matmul %reshape3A, %get3A_7, %dot_general3A {dimension_numbers = #tpu.dot_dimension_numbers<[1], [0], [0], [1], [0, 0, 1, 1], [], []>, transpose_lhs_hint = false} : vector<1024x4xf32>, vector<4x64xf32>, vector<1024x64xf32> -> vector<1024x64xf32>
    %get3A_9 = arith.constant 0 : index
    %get3A_10 = arith.constant 0 : index
    %get3A_11 = vector.load %arg4[%get3A_9, %get3A_10] : memref<1x64xf32, #tpu.memory_space<vmem>>, vector<1x64xf32>
    %add3A = vector.broadcast %get3A_11 : vector<1x64xf32> to vector<1024x64xf32>
    %add3A_12 = arith.addf %dot_general3A_8, %add3A : vector<1024x64xf32>
    %max3A = arith.constant 0.000000e+00 : f32
    %max3A_13 = vector.broadcast %max3A : f32 to vector<1024x64xf32>
    %max3A_14 = arith.maximumf %add3A_12, %max3A_13 : vector<1024x64xf32>
    %get3A_15 = arith.constant 0 : index
    %get3A_16 = arith.constant 0 : index
    %get3A_17 = vector.load %arg5[%get3A_15, %get3A_16] : memref<64x64xf32, #tpu.memory_space<vmem>>, vector<64x64xf32>
    %dot_general3A_18 = arith.constant dense<0.000000e+00> : vector<1024x64xf32>
    %dot_general3A_19 = tpu.matmul %max3A_14, %get3A_17, %dot_general3A_18 {dimension_numbers = #tpu.dot_dimension_numbers<[1], [0], [0], [1], [0, 0, 1, 1], [], []>, transpose_lhs_hint = false} : vector<1024x64xf32>, vector<64x64xf32>, vector<1024x64xf32> -> vector<1024x64xf32>
    %get3A_20 = arith.constant 0 : index
    %get3A_21 = arith.constant 0 : index
    %get3A_22 = vector.load %arg6[%get3A_20, %get3A_21] : memref<1x64xf32, #tpu.memory_space<vmem>>, vector<1x64xf32>
    %add3A_23 = vector.broadcast %get3A_22 : vector<1x64xf32> to vector<1024x64xf32>
    %add3A_24 = arith.addf %dot_general3A_19, %add3A_23 : vector<1024x64xf32>
    %get3A_25 = arith.constant 0 : index
    %get3A_26 = arith.constant 0 : index
    %get3A_27 = arith.constant 0 : index
    %get3A_28 = arith.constant 0 : index
    %get3A_29 = vector.load %arg2[%get3A_25, %get3A_26, %get3A_27, %get3A_28] : memref<1x16x64x64xf32, #tpu.memory_space<vmem>>, vector<1x16x64x64xf32>
    %get3A_30 = vector.shape_cast %get3A_29 : vector<1x16x64x64xf32> to vector<16x64x64xf32>
    %reshape3A_31 = vector.shape_cast %add3A_24 : vector<1024x64xf32> to vector<16x64x64xf32>
    %add3A_32 = arith.addf %get3A_30, %reshape3A_31 : vector<16x64x64xf32>
    %swap3A = arith.constant 0 : index
    %swap3A_33 = arith.constant 0 : index
    %swap3A_34 = arith.constant 0 : index
    %swap3A_35 = arith.constant 0 : index
    %swap3A_36 = vector.load %arg7[%swap3A, %swap3A_33, %swap3A_34, %swap3A_35] : memref<1x16x64x64xf32, #tpu.memory_space<vmem>>, vector<1x16x64x64xf32>
    %swap3A_37 = vector.shape_cast %swap3A_36 : vector<1x16x64x64xf32> to vector<16x64x64xf32>
    %swap3A_38 = vector.shape_cast %add3A_32 : vector<16x64x64xf32> to vector<1x16x64x64xf32>
    tpu.vector_store %arg7[%swap3A, %swap3A_33, %swap3A_34, %swap3A_35], %swap3A_38 {strides = array<i32>} : memref<1x16x64x64xf32, #tpu.memory_space<vmem>>, vector<1x16x64x64xf32>,
    return
  }
  func.func @transform_0(%arg0: i32) -> (i32, i32, i32, i32) {
    %c0_i32 = arith.constant 0 : i32
    %c0_i32_0 = arith.constant 0 : i32
    %c0_i32_1 = arith.constant 0 : i32
    %c0_i32_2 = arith.constant 0 : i32
    return %arg0, %c0_i32, %c0_i32_0, %c0_i32_1 : i32, i32, i32, i32
  }
  func.func @transform_1(%arg0: i32) -> (i32, i32, i32, i32) {
    %jit3A = arith.constant 32 : i32
    %div3A = arith.divsi %arg0, %jit3A : i32
    %sign3A = arith.constant 0 : i32
    %sign3A_0 = arith.cmpi sgt, %arg0, %sign3A : i32
    %sign3A_1 = arith.extui %sign3A_0 : i1 to i32
    %sign3A_2 = arith.constant 0 : i32
    %sign3A_3 = arith.cmpi slt, %arg0, %sign3A_2 : i32
    %sign3A_4 = arith.extui %sign3A_3 : i1 to i32
    %sign3A_5 = arith.subi %sign3A_1, %sign3A_4 : i32
    %sign3A_6 = arith.constant 0 : i32
    %sign3A_7 = arith.cmpi sgt, %jit3A, %sign3A_6 : i32
    %sign3A_8 = arith.extui %sign3A_7 : i1 to i32
    %sign3A_9 = arith.constant 0 : i32
    %sign3A_10 = arith.cmpi slt, %jit3A, %sign3A_9 : i32
    %sign3A_11 = arith.extui %sign3A_10 : i1 to i32
    %sign3A_12 = arith.subi %sign3A_8, %sign3A_11 : i32
    %ne3A = arith.cmpi ne, %sign3A_5, %sign3A_12 : i32
    %rem3A = arith.remsi %arg0, %jit3A : i32
    %ne3A_13 = arith.constant 0 : i32
    %ne3A_14 = arith.cmpi ne, %rem3A, %ne3A_13 : i32
    %and3A = arith.andi %ne3A, %ne3A_14 : i1
    %sub3A = arith.constant 1 : i32
    %sub3A_15 = arith.subi %div3A, %sub3A : i32
    %select_n3A = arith.select %and3A, %sub3A_15, %div3A : i32
    %jit3A_16 = arith.constant 32 : i32
    %eq3A = arith.constant 0 : i32
    %eq3A_17 = arith.cmpi eq, %jit3A_16, %eq3A : i32
    %jit3A_18 = arith.constant 1 : i32
    %select_n3A_19 = arith.select %eq3A_17, %jit3A_18, %jit3A_16 : i32
    %rem3A_20 = arith.remsi %arg0, %select_n3A_19 : i32
    %ne3A_21 = arith.constant 0 : i32
    %ne3A_22 = arith.cmpi ne, %rem3A_20, %ne3A_21 : i32
    %lt3A = arith.constant 0 : i32
    %lt3A_23 = arith.cmpi slt, %rem3A_20, %lt3A : i32
    %lt3A_24 = arith.constant 0 : i32
    %lt3A_25 = arith.cmpi slt, %select_n3A_19, %lt3A_24 : i32
    %ne3A_26 = arith.xori %lt3A_23, %lt3A_25 : i1
    %and3A_27 = arith.andi %ne3A_26, %ne3A_22 : i1
    %add3A = arith.addi %rem3A_20, %select_n3A_19 : i32
    %select_n3A_28 = arith.select %and3A_27, %add3A, %rem3A_20 : i32
    %c0_i32 = arith.constant 0 : i32
    %c0_i32_29 = arith.constant 0 : i32
    %c0_i32_30 = arith.constant 0 : i32
    return %select_n3A, %c0_i32, %select_n3A_28, %c0_i32_29 : i32, i32, i32, i32
  }
  func.func @transform_2(%arg0: i32) -> (i32, i32) {
    %c0_i32 = arith.constant 0 : i32
    %c0_i32_0 = arith.constant 0 : i32
    %c0_i32_1 = arith.constant 0 : i32
    return %c0_i32, %c0_i32_0 : i32, i32
  }
  func.func @transform_3(%arg0: i32) -> (i32, i32) {
    %c0_i32 = arith.constant 0 : i32
    %c0_i32_0 = arith.constant 0 : i32
    %c0_i32_1 = arith.constant 0 : i32
    return %c0_i32, %c0_i32_0 : i32, i32
  }
  func.func @transform_4(%arg0: i32) -> (i32, i32) {
    %c0_i32 = arith.constant 0 : i32
    %c0_i32_0 = arith.constant 0 : i32
    %c0_i32_1 = arith.constant 0 : i32
    return %c0_i32, %c0_i32_0 : i32, i32
  }
  func.func @transform_5(%arg0: i32) -> (i32, i32) {
    %c0_i32 = arith.constant 0 : i32
    %c0_i32_0 = arith.constant 0 : i32
    %c0_i32_1 = arith.constant 0 : i32
    return %c0_i32, %c0_i32_0 : i32, i32
  }
  func.func @transform_6(%arg0: i32) -> (i32, i32, i32, i32) {
    %jit3A = arith.constant 32 : i32
    %div3A = arith.divsi %arg0, %jit3A : i32
    %sign3A = arith.constant 0 : i32
    %sign3A_0 = arith.cmpi sgt, %arg0, %sign3A : i32
    %sign3A_1 = arith.extui %sign3A_0 : i1 to i32
    %sign3A_2 = arith.constant 0 : i32
    %sign3A_3 = arith.cmpi slt, %arg0, %sign3A_2 : i32
    %sign3A_4 = arith.extui %sign3A_3 : i1 to i32
    %sign3A_5 = arith.subi %sign3A_1, %sign3A_4 : i32
    %sign3A_6 = arith.constant 0 : i32
    %sign3A_7 = arith.cmpi sgt, %jit3A, %sign3A_6 : i32
    %sign3A_8 = arith.extui %sign3A_7 : i1 to i32
    %sign3A_9 = arith.constant 0 : i32
    %sign3A_10 = arith.cmpi slt, %jit3A, %sign3A_9 : i32
    %sign3A_11 = arith.extui %sign3A_10 : i1 to i32
    %sign3A_12 = arith.subi %sign3A_8, %sign3A_11 : i32
    %ne3A = arith.cmpi ne, %sign3A_5, %sign3A_12 : i32
    %rem3A = arith.remsi %arg0, %jit3A : i32
    %ne3A_13 = arith.constant 0 : i32
    %ne3A_14 = arith.cmpi ne, %rem3A, %ne3A_13 : i32
    %and3A = arith.andi %ne3A, %ne3A_14 : i1
    %sub3A = arith.constant 1 : i32
    %sub3A_15 = arith.subi %div3A, %sub3A : i32
    %select_n3A = arith.select %and3A, %sub3A_15, %div3A : i32
    %jit3A_16 = arith.constant 32 : i32
    %eq3A = arith.constant 0 : i32
    %eq3A_17 = arith.cmpi eq, %jit3A_16, %eq3A : i32
    %jit3A_18 = arith.constant 1 : i32
    %select_n3A_19 = arith.select %eq3A_17, %jit3A_18, %jit3A_16 : i32
    %rem3A_20 = arith.remsi %arg0, %select_n3A_19 : i32
    %ne3A_21 = arith.constant 0 : i32
    %ne3A_22 = arith.cmpi ne, %rem3A_20, %ne3A_21 : i32
    %lt3A = arith.constant 0 : i32
    %lt3A_23 = arith.cmpi slt, %rem3A_20, %lt3A : i32
    %lt3A_24 = arith.constant 0 : i32
    %lt3A_25 = arith.cmpi slt, %select_n3A_19, %lt3A_24 : i32
    %ne3A_26 = arith.xori %lt3A_23, %lt3A_25 : i1
    %and3A_27 = arith.andi %ne3A_26, %ne3A_22 : i1
    %add3A = arith.addi %rem3A_20, %select_n3A_19 : i32
    %select_n3A_28 = arith.select %and3A_27, %add3A, %rem3A_20 : i32
    %c0_i32 = arith.constant 0 : i32
    %c0_i32_29 = arith.constant 0 : i32
    %c0_i32_30 = arith.constant 0 : i32
    return %select_n3A, %c0_i32, %select_n3A_28, %c0_i32_29 : i32, i32, i32, i32
  }
}

</mosaic_0001>

<sc_bundles>
// kernel: kernel.6.cloned.1.call-start
scs
__scs_entry_jumppad:
0x0: {  	(pc) =	sbr.rel $0x88, $3  }
0x1: {  	(tag) =	ssettag $0x0;
	lr =	simm.s32 $0x1  }
0x2: {  	[smem:$0x3F9B] =	sst lr;
	_ =	strace $0xD0000000  }
0x3: {  	_ = 	snop  }
0x4: {  	_ = 	snop  }
0x5: {  	_ = 	snop  }
0x6: {  	_ = 	snop  }
0x7: {  	_ = 	snop  }
__scs_overlays_trampoline_lowered:
0x8: {  	[smem:$0x3FAA] =	sst s0  }
0x9: {  	[smem:$0x3FAB] =	sst s1  }
0xa: {  	[smem:$0x3FAC] =	sst s2  }
0xb: {  	[smem:$0x3FAD] =	sst s3  }
0xc: {  	[smem:$0x3FAE] =	sst s4  }
0xd: {  	[smem:$0x3FAF] =	sst s5  }
0xe: {  	[smem:$0x3FB0] =	sst s6  }
0xf: {  	[smem:$0x3FB1] =	sst s7  }
0x10: {  	[smem:$0x3FB2] =	sst s8  }
0x11: {  	[smem:$0x3FB3] =	sst s9;
	s0 =	simm.s32 @!p0 $0x0  }
0x12: {  	s1 =	sld [smem:$0x3F99];
	s0 =	simm.s32 @p0 $0x1  }
0x13: {  	[smem:$0x3FB4] =	sst s0;
	s0 =	simm.s32 @!p1 $0x0  }
0x14: {  	s2 =	sld [smem:$0x3F98];
	s0 =	simm.s32 @p1 $0x1  }
0x15: {  	[smem:$0x3FB5] =	sst s0;
	s0 =	simm.s32 @!p2 $0x0  }
0x16: {  	s3 =	sld [smem:$0x3FDB];
	s0 =	simm.s32 @p2 $0x1  }
0x17: {  	s4 =	simm.s32 $0x1BF5;
	[smem:$0x3FB7] =	sst s0  }
0x18: {  	s0 =	sld [smem:$0x3F9A];
	_ =	swait.ge [sflag:s4], $0x0  }
0x19: {  	s7 =	sld [smem:$0x3F9B]  }
0x1a: {  	s8 =	sadd.s32 $0xFFFFE003, lr  }
0x1b: {  	s9 =	sadd.s32 $0xFFFFFEF7, lr;
	s5 =	simm.s32 $0xFFFFFFFF;
	p2 =	slt.u32 s8, $0xFFFFF086  }
0x1c: {  	p1 =	slt.u32 s9, $0xF7A;
	s5 =	simm.s32 @!p2 $0x0  }
0x1d: {  	s5 =	simm.s32 @p1 $0x1;
	p0 =	seq.s32 s7, s2  }
0x1e: {  	s7 =	smul.u32 @!p0 $0xF7A, s2;
	p2 =	seq.s32 @!p0 s5, $0x0  }
0x1f: {  	s9 =	smul.u32 $0xF7A, s1;
	s8 =	simm.s32 @!p0 $0x1BF5;
	p2 =	por !p2, p0  }
0x20: {  	[sflag:s8] =	ssyncset.s32 @!p0 $0xFFFFF086;
	s6 =	sadd.s32 @!p0 s3, s7;
	s7 =	simm.s32 @!p0 $0x108  }
0x21: {  	s3 =	sadd.s32 s3, s9;
	s6 =	sadd.s32 @!p0 $0x88, s6;
	s7 =	simm.s32 @p2 $0x1082  }
0x22: {  	[simem:s7], [sflag:s8] =	dma.local @!p0 [hbm:s6], $0xF7A  }
0x23: {  	s9 =	sor.u32 $0xD0000000, s2;
	s6 =	simm.s32 $0x108;
	_ =	swait.ge @!p0 [sflag:s8], $0x0  }
0x24: {  	s3 =	sadd.s32 $0x88, s3;
	s6 =	simm.s32 @!p1 $0x1082;
	[sflag:s4] =	ssyncset.s32 $0xFFFFF086  }
0x25: {  	[simem:s6], [sflag:s4] =	dma.local [hbm:s3], $0xF7A  }
0x26: {  	[smem:$0x3F9B] =	sst s1;
	(tag) =	ssettag s2;
	_ =	strace s9  }
0x27: {  	s1 =	sld [smem:$0x3FAB]  }
0x28: {  	s2 =	sld [smem:$0x3FAC]  }
0x29: {  	s4 =	sld [smem:$0x3FAE]  }
0x2a: {  	p0 =	seq.s32 s5, $0x0;
	s5 =	sld [smem:$0x3FAF]  }
0x2b: {  	s6 =	sld [smem:$0x3FB0]  }
0x2c: {  	s7 =	sld [smem:$0x3FB1]  }
0x2d: {  	s3 =	simm.s32 $0x108;
	s8 =	sld [smem:$0x3FB2]  }
0x2e: {  	s3 =	simm.s32 @!p0 $0x1082;
	s9 =	sld [smem:$0x3FB3]  }
0x2f: {  	lr =	sadd.s32 s0, s3;
	s0 =	sld [smem:$0x3FAA]  }
0x30: {  	s3 =	sld [smem:$0x3FAD]  }
0x31: {  	[smem:$0x3FB6] =	sst s10  }
0x32: {  	s10 =	sld [smem:$0x3FB4];
	_ =	sdelay $0x3  }
0x33: {  	p0 =	seq.s32 s10, $0x1;
	s10 =	sld [smem:$0x3FB6];
	_ =	sdelay $0x3  }
0x34: {  	[smem:$0x3FB6] =	sst s10  }
0x35: {  	s10 =	sld [smem:$0x3FB5];
	_ =	sdelay $0x3  }
0x36: {  	p1 =	seq.s32 s10, $0x1;
	s10 =	sld [smem:$0x3FB6];
	_ =	sdelay $0x3  }
0x37: {  	[smem:$0x3FB6] =	sst s10  }
0x38: {  	s10 =	sld [smem:$0x3FB7]  }
0x39: {  	_ = 	snop;
	(pc) =	sbr.ind lr, $3  }
0x3a: {  	_ = 	snop  }
0x3b: {  	_ = 	snop  }
0x3c: {  	p2 =	seq.s32 s10, $0x1;
	s10 =	sld [smem:$0x3FB6]  }
0x3d: {  	_ =	shalt  }
0x3e: {  	_ =	shalt  }
0x3f: {  	_ =	shalt  }
0x40: {  	_ =	shalt  }
0x41: {  	_ =	shalt  }
0x42: {  	_ =	shalt  }
0x43: {  	_ =	shalt  }
0x44: {  	_ =	shalt  }
0x45: {  	_ =	shalt  }
0x46: {  	_ =	shalt  }
0x47: {  	_ =	shalt  }
0x48: {  	_ =	shalt  }
0x49: {  	_ =	shalt  }
0x4a: {  	_ =	shalt  }
0x4b: {  	_ =	shalt  }
0x4c: {  	_ =	shalt  }
0x4d: {  	_ =	shalt  }
0x4e: {  	_ =	shalt  }
0x4f: {  	_ =	shalt  }
0x50: {  	_ =	shalt  }
0x51: {  	_ =	shalt  }
0x52: {  	_ =	shalt  }
0x53: {  	_ =	shalt  }
0x54: {  	_ =	shalt  }
0x55: {  	_ =	shalt  }
0x56: {  	_ =	shalt  }
0x57: {  	_ =	shalt  }
0x58: {  	_ =	shalt  }
0x59: {  	_ =	shalt  }
0x5a: {  	_ =	shalt  }
0x5b: {  	_ =	shalt  }
0x5c: {  	_ =	shalt  }
0x5d: {  	_ =	shalt  }
0x5e: {  	_ =	shalt  }
0x5f: {  	_ =	shalt  }
0x60: {  	_ =	shalt  }
0x61: {  	_ =	shalt  }
0x62: {  	_ =	shalt  }
0x63: {  	_ =	shalt  }
0x64: {  	_ =	shalt  }
0x65: {  	_ =	shalt  }
0x66: {  	_ =	shalt  }
0x67: {  	_ =	shalt  }
0x68: {  	_ =	shalt  }
0x69: {  	_ =	shalt  }
0x6a: {  	_ =	shalt  }
0x6b: {  	_ =	shalt  }
0x6c: {  	_ =	shalt  }
0x6d: {  	_ =	shalt  }
0x6e: {  	_ =	shalt  }
0x6f: {  	_ =	shalt  }
0x70: {  	_ =	shalt  }
0x71: {  	_ =	shalt  }
0x72: {  	_ =	shalt  }
0x73: {  	_ =	shalt  }
0x74: {  	_ =	shalt  }
0x75: {  	_ =	shalt  }
0x76: {  	_ =	shalt  }
0x77: {  	_ =	shalt  }
0x78: {  	_ =	shalt  }
0x79: {  	_ =	shalt  }
0x7a: {  	_ =	shalt  }
0x7b: {  	_ =	shalt  }
0x7c: {  	_ =	shalt  }
0x7d: {  	_ =	shalt  }
0x7e: {  	_ =	shalt  }
0x7f: {  	_ =	shalt  }
0x80: {  	_ =	shalt  }
0x81: {  	_ =	shalt  }
0x82: {  	_ =	shalt  }
0x83: {  	_ =	shalt  }
0x84: {  	_ =	shalt  }
0x85: {  	_ =	shalt  }
0x86: {  	_ =	shalt  }
0x87: {  	_ =	shalt  }
.Lfunc_end0:
.L_simem_size_0:
called_computation.1_lowered:
.L_overlay_start_0:
0x88: {  	s2 =	sld [smem:$0x3FD9]  }
0x89: {  	s3 =	sld [smem:$0x3FFE];
	_ =	sdelay $0x1  }
0x8a: {  	s1 =	srdreg.scid  }
0x8b: {  	s0 =	sand.u32 $0x1, s1  }
0x8c: {  	s17 =	sshll.u32 s0, $0xA;
	s2 =	sadd.s32 s3, s2  }
0x8d: {  	s2 =	sadd.s32 s2, s17  }
0x8e: {  	[smem:$0x3FC2] =	sst s2  }
0x8f: {  	_ = 	snop  }
0x90: {  	s2 =	sld [smem:$0x3FD0];
	(tm) =	ssettm $0x1  }
0x91: {  	s18 =	sld [smem:$0x3FFB];
	_ =	sdelay $0x3  }
0x92: {  	_ =	strace s18  }
0x93: {  	s3 =	sld [smem:$0x3FFC];
	_ =	sdelay $0x3  }
0x94: {  	_ =	strace s3  }
0x95: {  	s3 =	sld [smem:$0x3FFD];
	_ =	sdelay $0x3  }
0x96: {  	_ =	strace s3  }
0x97: {  	_ =	strace $0x8FFFFFFF  }
0x98: {  	s19 =	sld [smem:$0x3FDB];
	_ =	sdelay $0x1  }
0x99: {  	s4 =	simm.s32 $_scs_section_size  }
0x9a: {  	s5 =	simm.s32 $_size__tile_overlayer_lowered;
	s6 =	simm.s32 $_tile_overlayer_lowered  }
0x9b: {  	s22 =	simm.s32 $0x1BFF;
	s21 =	sshll.u32 s6, $0x1;
	s3 =	sadd.s32 s4, s19  }
0x9c: {  	s7 =	simm.s32 $0x0;
	s20 =	sshll.u32 s5, $0x1;
	s5 =	sadd.s32 s21, s3  }
0x9d: {  	[timem:s7], [sflag:s22] =	dma.local [hbm:s5], s20  }
0x9e: {  	_ =	swait.ge [sflag:s22], s20  }
0x9f: {  	s4 =	ssub.s32 $0x0, s20;
	[sflag:s22] =	ssyncset.done $0x0  }
0xa0: {  	[sflag:s22] =	ssyncadd.s32 s4;
	_ =	sdelay $0x1  }
0xa1: {  	s23 =	simm.s32 $0x1B8B  }
0xa2: {  	_ =	swait.ge [sflag:s23], $0x1  }
0xa3: {  	[sflag:s23] =	ssyncset.done $0x0  }
0xa4: {  	s25 =	simm.s32 $0x1B8E;
	s24 =	sld [smem:$0x3FFE];
	[sflag:s23] =	ssyncadd.s32 $0xFFFFFFFF  }
0xa5: {  	s26 =	simm.s32 $execute0_lowered;
	[smem:$0x3FD2] =	sst s25  }
0xa6: {  	s5 =	sshll.u32 s26, $0x1;
	_ =	strace $0x80000046;
	[dreg:$0x1] =	wrdreg $0xFFFFFFFF  }
0xa7: {  	s28 =	simm.s32 $_size_execute0_lowered;
	s3 =	sadd.s32 s3, s5;
	[dreg:$0x0] =	wrdreg $0x0  }
0xa8: {  	s5 =	sshll.u32 s28, $0x1;
	[dreg:$0x2] =	wrdreg s3  }
0xa9: {  	[dreg:$0x3] =	wrdreg s5  }
0xaa: {  	[dreg:$0x4] =	wrdreg $0xC0  }
0xab: {  	_ =	task [dreg:s7], $0x5FFFF  }
0xac: {  	[dreg:$0x1] =	wrdreg $0xFFFFFFFF  }
0xad: {  	[dreg:$0x0] =	wrdreg $0x60  }
0xae: {  	[dreg:$0x2] =	wrdreg s2  }
0xaf: {  	[dreg:$0x3] =	wrdreg s24  }
0xb0: {  	[dreg:$0x4] =	wrdreg $0x9  }
0xb1: {  	_ =	task.clear_ibuf [dreg:s7], $0x5FFFF;
	_ =	strace $0x90000046  }
0xb2: {  	s29 =	simm.s32 $0x9;
	_ =	strace $0x80000048  }
0xb3: {  	_ =	swait.ge [sflag:s29], $0x1  }
0xb4: {  	[sflag:s29] =	ssyncadd.s32 $0xFFFFFFFF  }
0xb5: {  	_ =	strace $0x90000048  }
0xb6: {  	_ =	sfence  }
0xb7: {  	s30 =	sld [smem:$0x0];
	_ =	sdelay $0x2  }
0xb8: {  	s31 =	sshll.u32 s1, $0xD;
	s1 =	sshrl.u32 s1, $0x2  }
0xb9: {  	s3 =	sand.u32 $0x4000, s31;
	s1 =	sadd.s32 s1, s30  }
0xba: {  	s0 =	sor.u32 s3, s0;
	s1 =	sshll.u32 s1, $0x11  }
0xbb: {  	s0 =	sor.u32 s1, s0  }
0xbc: {  	s0 =	sadd.s32 $0x8F2B, s0  }
0xbd: {  	[sflag:s0] =	ssyncadd.remote.s32 $0x1  }
0xbe: {  	_ =	sfence.sel $0xFFFF  }
0xbf: {  	[dreg:$0x0] =	wrdreg $0xFFFFFFFF;
	(pc) =	sbr.abs _section_cstart, $3  }
0xc0: {  	[dreg:$0x1] =	wrdreg $0xFFFFFFFF  }
0xc1: {  	_ =	task.clear_ibuf [dreg:s7], $0x2FFFF;
	_ =	strace $0x9FFFFFFF  }
0xc2: {  	(tm) =	ssettm $0x7FFFFFFF  }
0xc3: {  	_ =	shalt  }
tec
execute0_lowered:
.L_overlay_start_1:
0x0: {  	(tag) =	ssettag $0x1  }
0x1: {  	s1 =	rddreg [dreg:$0x0]  }
0x2: {  	s5 =	rddreg [dreg:$0x1]  }
0x3: {  	s0 =	rddreg [dreg:$0x2];
	s3 =	simm.s32 $0x0;
	s2 =	stileid.u32  }
0x4: {  	s7 =	srdreg.scid;
	s12 =	simm.s32 $0x400;
	s13 =	simm.s32 $0x2000  }
0x5: {  	s14 =	simm.s32 $0x2800;
	s15 =	simm.s32 $0x2;
	s16 =	simm.s32 $0x3000  }
0x6: {  	s17 =	simm.s32 $0x3800;
	s18 =	simm.s32 $0x3;
	s19 =	simm.s32 $0x0  }
0x7: {  	[smem:$0x7FF] =	sst s3;
	s4 =	sadd.s32 $0x1400, s5;
	s6 =	sshll.u32 s2, $0xA  }
0x8: {  	s7 =	sand.u32 $0x1, s7;
	s8 =	sshll.u32 s2, $0x1;
	_ =	strace $0x80000047  }
0x9: {  	s6 =	sand.u32 $0x3000, s6;
	s28 =	ssub.s32 $0x2, s7;
	s29 =	sor.u32 s7, s8  }
.Ltmp0:
0xa: {  	v0 =	vlaneseq.u32;
	s9 =	sadd.s32 s6, s5;
	s30 =	sshrl.u32 s28, $0x1;
	(pc) =	sbr.rel .LBB2_1-.Ltmp0, $4  }
0xb: {  	v3 =	vmul.u32 $0xFFFFFFFF, v0;
	s8 =	sshll.u32 s29, $0xE;
	s10 =	sshll.u32 s29, $0x4;
	s6 =	sshll.u32 s29, $0x6  }
0xc: {  	v1 =	vmul.u32 $0x100, v0;
	s11 =	ssub.s32 s28, s30;
	s5 =	sadd.s32 s1, s8;
	s31 =	sand.u32 $0x70, s10  }
0xd: {  	v2 =	vimm.s32 $0x0;
	v7 =	vimm.f32 $0.0e+00;
	v3 =	vadd.s32 $0xF, v3;
	s10 =	simm.s32 $0x1;
	s7 =	sadd.s32 $0x10, s5;
	s8 =	sadd.s32 s31, s9  }
0xe: {  	v4 =	vor.u32 $0x1, v1;
	v5 =	vor.u32 $0x2, v1;
	v6 =	vor.u32 $0x3, v1;
	s9 =	smax.u32 s11, $0x1;
	s11 =	simm.s32 $0x80;
	s8 =	sadd.s32 $0x1800, s8  }
.LBB2_27:
0xf: {  	_ =	swait.ge [sflag:s15], $0x800  }
0x10: {  	[sflag:s15] =	ssyncset.done $0x0  }
0x11: {  	[sflag:s15] =	ssyncadd.s32 $0xFFFFF800  }
0x12: {  	s19 =	sadd.s32 $0x1, s19;
	_ =	swait.ge [sflag:s18], $0x800  }
0x13: {  	p0 =	sne.s32 s19, s9;
	[sflag:s18] =	ssyncset.done $0x0  }
.Ltmp1:
0x14: {  	[sflag:s18] =	ssyncadd.s32 $0xFFFFF800;
	(pc) =	sbr.rel @!p0 .LBB2_28-.Ltmp1, $4  }
0x15: {  	[hbm4b:s8+s11] =	stream.strided.scatter [tilespmem:s17], [sflag:$0x1], $0x1000, s12, s11, $0x38;
	[tilespmem:$0x4800] =	vst v63  }
0x16: {  	_ =	swait.ge [sflag:s10], $0x1000  }
0x17: {  	[sflag:s10] =	ssyncset.done $0x0  }
0x18: {  	[sflag:s10] =	ssyncadd.s32 $0xFFFFF000  }
.LBB2_1:
0x19: {  	[tilespmem:s3], [sflag:$0x1] =	stream.linear.gather [hbm4b:s4+s3], $0x2000, $0x38;
	[tilespmem:$0x4800] =	vst v63  }
0x1a: {  	_ =	swait.ge [sflag:s10], $0x2000  }
.Ltmp2:
0x1b: {  	[sflag:s10] =	ssyncset.done $0x0;
	(pc) =	sbr.rel .LBB2_2-.Ltmp2, $4  }
0x1c: {  	[sflag:s10] =	ssyncadd.s32 $0xFFFFE000  }
0x1d: {  	[tilespmem:s13], [sflag:$0x2] =	stream.strided.gather [hbm4b:s5+s11], $0x800, s12, s11, $0x38;
	[tilespmem:$0x4800] =	vst v63  }
0x1e: {  	s20 =	simm.s32 $0x0  }
0x1f: {  	[tilespmem:s14], [sflag:$0x3] =	stream.strided.gather [hbm4b:s7+s11], $0x800, s12, s11, $0x38;
	[tilespmem:$0x4800] =	vst v63  }
.LBB2_20:
0x20: {  	_ = 	snop  }
.LBB2_25:
0x21: {  	v12 =	vor.u32 s22, v0  }
0x22: {  	vm0 =	vlt.s32 v12, v8;
	_ =	sdelay $0x5  }
0x23: {  	v8 =	vld.idx.msk [tilespmem:v11+s14+$0x0], vm0;
	_ =	sdelay $0x1  }
0x24: {  	v12, v13, _ =	vpop @p0 (xrf1)  }
0x25: {  	v12 =	vperm.xlane @p0 v12, v3;
	v14, v15, _ =	vpop @p1 (xrf1)  }
0x26: {  	v13 =	vperm.xlane @p0 v13, v3;
	v14 =	vpsel p1, v14, v10  }
0x27: {  	v15 =	vpsel p1, v15, v9;
	v8 =	vnsel vm0, $0x7F800000, v8;
	vm0 =	vle.f32 @p0 v14, v12  }
0x28: {  	(xrf1) =	vsort.ascd.msk.f32 $0xffff, v8, v11;
	v8 =	vsel @p0 vm0, v14, v12;
	v11 =	vsel @p0 vm0, v15, v13  }
0x29: {  	(xrf1) =	vsort.ascd.msk.f32 @p0 $0xffff, v8, v11;
	_ =	sdelay $0xc  }
0x2a: {  	v8, v11, _ =	vpop (xrf1)  }
0x2b: {  	v8 =	vperm.xlane v8, v3;
	v12, v13, _ =	vpop @p0 (xrf1)  }
0x2c: {  	v11 =	vperm.xlane v11, v3;
	v10 =	vpsel p0, v12, v10  }
0x2d: {  	v9 =	vpsel p0, v13, v9;
	vm15 =	vle.f32 v10, v8  }
0x2e: {  	v8 =	vsel vm15, v10, v8;
	v9 =	vsel vm15, v9, v11  }
0x2f: {  	(xrf1) =	vsort.ascd.msk.f32 $0xffff, v8, v9;
	_ =	sdelay $0xd  }
0x30: {  	v8, v9, _ =	vpop (xrf1)  }
.LBB2_26:
0x31: {  	s21 =	sor.u32 $0x1, s21  }
0x32: {  	s22 =	sor.u32 s6, s21  }
0x33: {  	v11 =	vshll.u32 v9, $0x2;
	v8 =	vmov s22  }
0x34: {  	v56 =	vand.u32 $0x7F, v9;
	v57 =	vand.u32 $0xFFFFFE00, v11;
	v10 =	vshll.u32 v8, $0x2  }
0x35: {  	v9 =	vor.u32 v56, v57;
	v8 =	vand.u32 $0x7F, v8;
	v10 =	vand.u32 $0x7FFFFE00, v10  }
0x36: {  	v8 =	vor.u32 v8, v10;
	_ =	sdelay $0x3  }
0x37: {  	v59 =	vld.idx.msk [tilespmem:v9+s3+$0x0], $0xffff  }
0x38: {  	v58 =	vld.idx.msk [tilespmem:v8+s3+$0x0], $0xffff  }
0x39: {  	s21 =	sshll.u32 s21, $0x2  }
0x3a: {  	v12 =	vor.u32 s21, v1  }
0x3b: {  	v13 =	vor.u32 $0x80, v8  }
0x3c: {  	v14 =	vor.u32 $0x80, v9  }
0x3d: {  	v10 =	vsub.f32 v58, v59;
	_ =	sdelay $0x1  }
0x3e: {  	[tilespmem:v12+s17+$0x0] =	vst.idx.msk $0xffff, v10  }
0x3f: {  	v10 =	vld.idx.msk [tilespmem:v13+s3+$0x0], $0xffff  }
0x40: {  	v60 =	vld.idx.msk [tilespmem:v14+s3+$0x0], $0xffff;
	_ =	sdelay $0x1  }
0x41: {  	v61 =	vor.u32 s21, v4  }
0x42: {  	v8 =	vor.u32 $0x100, v8  }
0x43: {  	v9 =	vor.u32 $0x100, v9  }
0x44: {  	v10 =	vsub.f32 v10, v60;
	_ =	sdelay $0x1  }
0x45: {  	[tilespmem:v61+s17+$0x0] =	vst.idx.msk $0xffff, v10  }
0x46: {  	v8 =	vld.idx.msk [tilespmem:v8+s3+$0x0], $0xffff  }
0x47: {  	v9 =	vld.idx.msk [tilespmem:v9+s3+$0x0], $0xffff;
	_ =	sdelay $0x1  }
0x48: {  	v62 =	vor.u32 s21, v5  }
0x49: {  	s20 =	sadd.s32 $0x1, s20;
	v63 =	vor.u32 s21, v6;
	s30 =	smin.u32 s22, $0x7FD  }
0x4a: {  	p0 =	sne.s32 s20, $0x20;
	s21 =	sadd.s32 $0x2, s30  }
.Ltmp3:
0x4b: {  	s31 =	sshll.u32 s21, $0x4;
	v8 =	vsub.f32 v8, v9;
	(pc) =	sbr.rel @!p0 .LBB2_27-.Ltmp3, $4  }
0x4c: {  	s21 =	sshll.u32 s21, $0x8;
	s22 =	sand.u32 $0x70, s31  }
0x4d: {  	s21 =	sand.u32 $0xFF800, s21;
	s22 =	sadd.s32 s1, s22;
	[tilespmem:v62+s17+$0x0] =	vst.idx.msk $0xffff, v8  }
0x4e: {  	s21 =	sadd.s32 s21, s22;
	[tilespmem:v63+s17+$0x0] =	vst.idx.msk $0xffff, v7  }
0x4f: {  	[tilespmem:s14], [sflag:$0x3] =	stream.strided.gather [hbm4b:s21+s11], $0x800, s12, s11, $0x38;
	[tilespmem:$0x4800] =	vst v63  }
.LBB2_2:
0x50: {  	_ =	swait.ge [sflag:s15], $0x800  }
0x51: {  	[sflag:s15] =	ssyncset.done $0x0  }
0x52: {  	s22 =	simm.s32 $0x2040;
	[sflag:s15] =	ssyncadd.s32 $0xFFFFF800  }
0x53: {  	v10 =	vld [tilespmem:s22+$0xFFFFFFC0]  }
0x54: {  	v11 =	vld [tilespmem:s22+$0xFFFFFFD0]  }
0x55: {  	v12 =	vld [tilespmem:s22+$0xFFFFFFE0]  }
0x56: {  	v8 =	vld [tilespmem:s22+$0xFFFFFFF0]  }
0x57: {  	v13 =	vimm.f32 $+Inf;
	v9 =	vld [tilespmem:s22+$0x0]  }
0x58: {  	v13 =	vmin.f32 v13, v10;
	v10 =	vld [tilespmem:s22+$0x10]  }
0x59: {  	v13 =	vmin.f32 v13, v11;
	v11 =	vld [tilespmem:s22+$0x20]  }
0x5a: {  	s21 =	simm.s32 $0x0;
	v13 =	vmin.f32 v13, v12;
	v12 =	vld [tilespmem:s22+$0x30];
	s22 =	simm.s32 $0x20C0  }
.LBB2_3:
0x5b: {  	v14 =	vld [tilespmem:s22+$0xFFFFFFC0];
	s21 =	sadd.s32 $0x8, s21;
	v8 =	vmin.f32 v13, v8  }
0x5c: {  	v13 =	vld [tilespmem:s22+$0xFFFFFFD0];
	p0 =	slt.u32 s21, $0x78;
	v8 =	vmin.f32 v8, v9  }
0x5d: {  	v15 =	vld [tilespmem:s22+$0xFFFFFFE0];
	v9 =	vmin.f32 v8, v10  }
.Ltmp4:
0x5e: {  	v8 =	vld [tilespmem:s22+$0xFFFFFFF0];
	v10 =	vmin.f32 v9, v11;
	(pc) =	sbr.rel @p0 .LBB2_3-.Ltmp4, $4  }
0x5f: {  	v9 =	vld [tilespmem:s22+$0x0];
	v10 =	vmin.f32 v10, v12  }
0x60: {  	v11 =	vmin.f32 v10, v14;
	v10 =	vld [tilespmem:s22+$0x10]  }
0x61: {  	v12 =	vmin.f32 v11, v13;
	v11 =	vld [tilespmem:s22+$0x20]  }
0x62: {  	v13 =	vmin.f32 v12, v15;
	v12 =	vld [tilespmem:s22+$0x30];
	s22 =	sadd.s32 $0x80, s22  }
0x63: {  	v8 =	vmin.f32 v13, v8  }
0x64: {  	v8 =	vmin.f32 v8, v9  }
0x65: {  	v8 =	vmin.f32 v8, v10  }
0x66: {  	v8 =	vmin.f32 v8, v11  }
0x67: {  	v8 =	vmin.f32 v8, v12  }
0x68: {  	(xrf0) =	vmax.scan.msk.f32 $0xffff, v8;
	_ =	sdelay $0x5  }
0x69: {  	v8, _, _ =	vpop (xrf0)  }
0x6a: {  	s21 =	simm.s32 $0xFFFFFFFC;
	s22 =	simm.s32 $0x0;
	s23 =	simm.s32 $0x2020;
	v9 =	vbroadcast v8, $0xF;
	v8 =	vimm.s32 $0x0  }
.LBB2_5:
0x6b: {  	v10 =	vld [tilespmem:s23+$0xFFFFFFE0];
	_ =	sdelay $0x4  }
0x6c: {  	vm0 =	vle.f32 v10, v9  }
0x6d: {  	v10 =	vsel vm0, $0x1, v2  }
0x6e: {  	(xrf0) =	vadd.scan.msk.s32 $0xffff, v10;
	_ =	sdelay $0x5  }
0x6f: {  	v10, _, _ =	vpop (xrf0)  }
0x70: {  	v10 =	vadd.s32 v10, v8  }
0x71: {  	v10 =	vadd.s32 $0xFFFFFFFF, v10;
	_ =	sdelay $0x3  }
0x72: {  	v11 =	vor.u32 s22, v0  }
0x73: {  	[tilespmem:v10+s16+$0x0] =	vst.idx.msk vm0, v11  }
0x74: {  	v10 =	vld [tilespmem:s23+$0xFFFFFFF0];
	_ =	sdelay $0x4  }
0x75: {  	vm1 =	vle.f32 v10, v9  }
0x76: {  	v10 =	vsel vm1, $0x1, v2  }
0x77: {  	(xrf0) =	vadd.scan.msk.s32 $0xffff, v10;
	_ =	sdelay $0x1  }
0x78: {  	v10 =	vmpcnt.ones.xlane vm0;
	_ =	sdelay $0x3  }
0x79: {  	v8 =	vadd.s32 v8, v10;
	v10, _, _ =	vpop (xrf0)  }
0x7a: {  	v10 =	vadd.s32 v10, v8  }
0x7b: {  	v10 =	vadd.s32 $0xFFFFFFFF, v10;
	_ =	sdelay $0x2  }
0x7c: {  	s24 =	sadd.s32 $0x10, s22  }
0x7d: {  	v11 =	vor.u32 s24, v0  }
0x7e: {  	[tilespmem:v10+s16+$0x0] =	vst.idx.msk vm1, v11  }
0x7f: {  	v10 =	vld [tilespmem:s23+$0x0];
	_ =	sdelay $0x4  }
0x80: {  	vm14 =	vle.f32 v10, v9  }
0x81: {  	v10 =	vsel vm14, $0x1, v2  }
0x82: {  	(xrf0) =	vadd.scan.msk.s32 $0xffff, v10;
	_ =	sdelay $0x1  }
0x83: {  	v10 =	vmpcnt.ones.xlane vm1;
	_ =	sdelay $0x3  }
0x84: {  	v8 =	vadd.s32 v8, v10;
	v10, _, _ =	vpop (xrf0)  }
0x85: {  	v10 =	vadd.s32 v10, v8  }
0x86: {  	v10 =	vadd.s32 $0xFFFFFFFF, v10;
	_ =	sdelay $0x2  }
0x87: {  	s30 =	sadd.s32 $0x20, s22  }
0x88: {  	v11 =	vor.u32 s30, v0  }
0x89: {  	[tilespmem:v10+s16+$0x0] =	vst.idx.msk vm14, v11  }
0x8a: {  	v10 =	vld [tilespmem:s23+$0x10];
	_ =	sdelay $0x4  }
0x8b: {  	vm15 =	vle.f32 v10, v9  }
0x8c: {  	v10 =	vsel vm15, $0x1, v2  }
0x8d: {  	(xrf0) =	vadd.scan.msk.s32 $0xffff, v10;
	_ =	sdelay $0x1  }
0x8e: {  	v10 =	vmpcnt.ones.xlane vm14;
	_ =	sdelay $0x3  }
0x8f: {  	v8 =	vadd.s32 v8, v10;
	v10, _, _ =	vpop (xrf0)  }
0x90: {  	s21 =	sadd.s32 $0x4, s21;
	v10 =	vadd.s32 v10, v8  }
0x91: {  	p0 =	slt.u32 s21, $0x7C;
	v10 =	vadd.s32 $0xFFFFFFFF, v10  }
.Ltmp5:
0x92: {  	_ = 	snop;
	(pc) =	sbr.rel @p0 .LBB2_5-.Ltmp5, $4  }
0x93: {  	_ = 	snop  }
0x94: {  	s31 =	sadd.s32 $0x30, s22;
	v11 =	vmpcnt.ones.xlane vm15  }
0x95: {  	v12 =	vor.u32 s31, v0  }
0x96: {  	s22 =	sadd.s32 $0x40, s22;
	s23 =	sadd.s32 $0x40, s23;
	v8 =	vadd.s32 v8, v11;
	[tilespmem:v10+s16+$0x0] =	vst.idx.msk vm15, v12  }
0x97: {  	v9 =	vxor.u32 $0x80000000, v8  }
0x98: {  	(xrf0) =	vmax.scan.msk.u32 $0xffff, v9;
	_ =	sdelay $0x5  }
0x99: {  	v9, _, _ =	vpop (xrf0)  }
0x9a: {  	(v2sf) =	vpush v9, $0xF;
	_ =	sdelay $0xe  }
0x9b: {  	s21 =	spop (v2sf)  }
0x9c: {  	s21 =	sadd.s32 $0x8000000F, s21  }
0x9d: {  	s22 =	sand.u32 $0xF, s21  }
0x9e: {  	s31 =	sshra.s32 s21, $0x1F;
	p1 =	slt.s32 s21, $0x1;
	p0 =	sne.s32 s22, $0x0  }
0x9f: {  	s22 =	sshrl.u32 s31, $0x1C;
	p0 =	por !p1, !p0  }
0xa0: {  	s21 =	sadd.s32 s22, s21;
	s22 =	simm.s32 $0x1;
	p0 =	por !p0, !p0  }
0xa1: {  	s21 =	sshra.s32 s21, $0x4;
	s22 =	simm.s32 @!p0 $0x0  }
0xa2: {  	s22 =	ssub.s32 s21, s22  }
0xa3: {  	p0 =	slt.s32 s22, $0x1  }
.Ltmp6:
0xa4: {  	_ = 	snop;
	(pc) =	sbr.rel @p0 .LBB2_14-.Ltmp6, $2  }
0xa5: {  	_ =	sdelay $0x2  }
0xa6: {  	v9 =	vimm.s32 $0x0  }
0xa7: {  	p2 =	sne.s32 s22, $0x1  }
.Ltmp7:
0xa8: {  	_ = 	snop;
	(pc) =	sbr.rel @!p2 .LBB2_8-.Ltmp7, $3  }
0xa9: {  	_ =	sdelay $0x1  }
0xaa: {  	s23 =	simm.s32 $0x3000;
	s21 =	simm.s32 $0x0  }
0xab: {  	v10 =	vimm.f32 $+Inf;
	s22 =	sadd.s32 $0xFFFFFFFF, s22;
	p0 =	por $0x0, $0x0;
	p1 =	por $0x0, $0x0;
	v11 =	vld [tilespmem:s23+$0x0]  }
0xac: {  	_ = 	snop  }
0xad: {  	v12 =	vor.u32 s21, v0  }
0xae: {  	vm0 =	vlt.s32 v12, v8;
	_ =	sdelay $0x5  }
0xaf: {  	v12 =	vld.idx.msk [tilespmem:v11+s13+$0x0], vm0  }
0xb0: {  	p2 =	sne.s32 s22, $0x1  }
.Ltmp8:
0xb1: {  	_ = 	snop;
	(pc) =	sbr.rel @!p2 .LBB2_10-.Ltmp8, $3  }
0xb2: {  	_ =	sdelay $0x1  }
0xb3: {  	s31 =	simm.s32 $0x3010;
	v12 =	vnsel vm0, $0x7F800000, v12  }
0xb4: {  	s23 =	sadd.s32 $0xFFFFFFFF, s22;
	s21 =	simm.s32 $0x10;
	p0 =	por $0x1, $0x1;
	(xrf1) =	vsort.ascd.msk.f32 $0xffff, v12, v11;
	v11 =	vld [tilespmem:s31+$0x0]  }
0xb5: {  	_ =	sdelay $0x2  }
0xb6: {  	v12 =	vor.u32 s21, v0  }
0xb7: {  	vm0 =	vlt.s32 v12, v8;
	_ =	sdelay $0x5  }
0xb8: {  	v12 =	vld.idx.msk [tilespmem:v11+s13+$0x0], vm0;
	_ =	sdelay $0x2  }
0xb9: {  	p2 =	sne.s32 s23, $0x1;
	v13, v14, _ =	vpop (xrf1)  }
.Ltmp9:
0xba: {  	v13 =	vperm.xlane v13, v3;
	(pc) =	sbr.rel @!p2 .LBB2_13-.Ltmp9, $4  }
0xbb: {  	v12 =	vnsel vm0, $0x7F800000, v12;
	v14 =	vperm.xlane v14, v3  }
0xbc: {  	(xrf1) =	vsort.ascd.msk.f32 $0xffff, v12, v11;
	vm15 =	vle.f32 v10, v13  }
0xbd: {  	s22 =	simm.s32 $0x3020;
	v62 =	vsel vm15, v10, v13;
	v63 =	vsel vm15, v9, v14  }
0xbe: {  	s23 =	sadd.s32 $0xFFFFFFFF, s23;
	s21 =	simm.s32 $0x20;
	p1 =	por $0x1, $0x1;
	v11 =	vld [tilespmem:s22+$0x0];
	(xrf1) =	vsort.ascd.msk.f32 $0xffff, v62, v63  }
.LBB2_12:
0xbf: {  	p2 =	sne.s32 s23, $0x1;
	v12 =	vor.u32 s21, v0  }
0xc0: {  	vm0 =	vlt.s32 v12, v8;
	_ =	sdelay $0x5  }
0xc1: {  	v12 =	vld.idx.msk [tilespmem:v11+s13+$0x0], vm0;
	_ =	sdelay $0x3  }
0xc2: {  	v13, v14, _ =	vpop (xrf1)  }
.Ltmp10:
0xc3: {  	v13 =	vperm.xlane v13, v3;
	(pc) =	sbr.rel @p2 .LBB2_12-.Ltmp10, $4  }
0xc4: {  	v12 =	vnsel vm0, $0x7F800000, v12;
	v14 =	vperm.xlane v14, v3;
	v15, v16, _ =	vpop (xrf1)  }
0xc5: {  	(xrf1) =	vsort.ascd.msk.f32 $0xffff, v12, v11;
	vm0 =	vle.f32 v15, v13  }
0xc6: {  	s22 =	sadd.s32 $0x10, s22;
	v12 =	vsel vm0, v15, v13;
	v13 =	vsel vm0, v16, v14  }
0xc7: {  	s23 =	sadd.s32 $0xFFFFFFFF, s23;
	s21 =	sadd.s32 $0x10, s21;
	v11 =	vld [tilespmem:s22+$0x0];
	(xrf1) =	vsort.ascd.msk.f32 $0xffff, v12, v13  }
.LBB2_13:
0xc8: {  	_ =	sdelay $0x2  }
0xc9: {  	v12 =	vor.u32 s21, v0  }
0xca: {  	vm0 =	vlt.s32 v12, v8;
	_ =	sdelay $0x5  }
0xcb: {  	v8 =	vld.idx.msk [tilespmem:v11+s13+$0x0], vm0;
	_ =	sdelay $0x1  }
0xcc: {  	v12, v13, _ =	vpop @p0 (xrf1)  }
0xcd: {  	v12 =	vperm.xlane @p0 v12, v3;
	v14, v15, _ =	vpop @p1 (xrf1)  }
0xce: {  	v13 =	vperm.xlane @p0 v13, v3;
	v14 =	vpsel p1, v14, v10  }
0xcf: {  	v8 =	vnsel vm0, $0x7F800000, v8;
	v15 =	vpsel p1, v15, v9;
	vm0 =	vle.f32 @p0 v14, v12  }
0xd0: {  	(xrf1) =	vsort.ascd.msk.f32 $0xffff, v8, v11;
	v8 =	vsel @p0 vm0, v14, v12;
	v11 =	vsel @p0 vm0, v15, v13  }
0xd1: {  	(xrf1) =	vsort.ascd.msk.f32 @p0 $0xffff, v8, v11;
	_ =	sdelay $0xc  }
0xd2: {  	v8, v11, _ =	vpop (xrf1)  }
0xd3: {  	v8 =	vperm.xlane v8, v3;
	v12, v13, _ =	vpop @p0 (xrf1)  }
0xd4: {  	v11 =	vperm.xlane v11, v3;
	v10 =	vpsel p0, v12, v10  }
0xd5: {  	v9 =	vpsel p0, v13, v9;
	vm15 =	vle.f32 v10, v8  }
0xd6: {  	v8 =	vsel vm15, v10, v8;
	v9 =	vsel vm15, v9, v11  }
0xd7: {  	(xrf1) =	vsort.ascd.msk.f32 $0xffff, v8, v9;
	_ =	sdelay $0xd  }
0xd8: {  	v8, v9, _ =	vpop (xrf1)  }
.LBB2_14:
0xd9: {  	s21 =	sshll.u32 s20, $0x1  }
0xda: {  	s22 =	sor.u32 s6, s21  }
0xdb: {  	v8 =	vmov s22  }
0xdc: {  	v10 =	vshll.u32 v8, $0x2  }
0xdd: {  	v11 =	vshll.u32 v9, $0x2;
	v8 =	vand.u32 $0x7E, v8;
	v10 =	vand.u32 $0x7FFFFE00, v10  }
0xde: {  	v9 =	vand.u32 $0x7F, v9;
	v8 =	vor.u32 v8, v10;
	v10 =	vand.u32 $0xFFFFFE00, v11  }
0xdf: {  	v9 =	vor.u32 v9, v10;
	_ =	sdelay $0x3  }
0xe0: {  	v10 =	vld.idx.msk [tilespmem:v8+s3+$0x0], $0xffff  }
0xe1: {  	v11 =	vld.idx.msk [tilespmem:v9+s3+$0x0], $0xffff  }
0xe2: {  	s23 =	sshll.u32 s20, $0x3  }
0xe3: {  	v12 =	vor.u32 s23, v1  }
0xe4: {  	v13 =	vor.u32 $0x80, v8  }
0xe5: {  	v14 =	vor.u32 $0x80, v9  }
0xe6: {  	v10 =	vsub.f32 v10, v11;
	_ =	sdelay $0x1  }
0xe7: {  	[tilespmem:v12+s17+$0x0] =	vst.idx.msk $0xffff, v10  }
0xe8: {  	v10 =	vld.idx.msk [tilespmem:v13+s3+$0x0], $0xffff  }
0xe9: {  	v11 =	vld.idx.msk [tilespmem:v14+s3+$0x0], $0xffff;
	_ =	sdelay $0x1  }
0xea: {  	v12 =	vor.u32 s23, v4  }
0xeb: {  	v8 =	vor.u32 $0x100, v8  }
0xec: {  	v9 =	vor.u32 $0x100, v9  }
0xed: {  	v10 =	vsub.f32 v10, v11;
	_ =	sdelay $0x1  }
0xee: {  	[tilespmem:v12+s17+$0x0] =	vst.idx.msk $0xffff, v10  }
0xef: {  	v8 =	vld.idx.msk [tilespmem:v8+s3+$0x0], $0xffff  }
0xf0: {  	v9 =	vld.idx.msk [tilespmem:v9+s3+$0x0], $0xffff;
	_ =	sdelay $0x1  }
0xf1: {  	v10 =	vor.u32 s23, v5  }
0xf2: {  	s22 =	smin.u32 s22, $0x7FD;
	v11 =	vor.u32 s23, v6  }
0xf3: {  	s22 =	sadd.s32 $0x2, s22  }
0xf4: {  	s30 =	sshll.u32 s22, $0x4;
	v8 =	vsub.f32 v8, v9  }
0xf5: {  	s22 =	sshll.u32 s22, $0x8;
	s23 =	sand.u32 $0x70, s30  }
0xf6: {  	s22 =	sand.u32 $0xFF800, s22;
	s23 =	sadd.s32 s1, s23;
	[tilespmem:v10+s17+$0x0] =	vst.idx.msk $0xffff, v8  }
0xf7: {  	s22 =	sadd.s32 s22, s23;
	[tilespmem:v11+s17+$0x0] =	vst.idx.msk $0xffff, v7  }
0xf8: {  	[tilespmem:s13], [sflag:$0x2] =	stream.strided.gather [hbm4b:s22+s11], $0x800, s12, s11, $0x38;
	[tilespmem:$0x4800] =	vst v63  }
0xf9: {  	_ =	swait.ge [sflag:s18], $0x800  }
0xfa: {  	[sflag:s18] =	ssyncset.done $0x0  }
0xfb: {  	s31 =	simm.s32 $0x2840;
	[sflag:s18] =	ssyncadd.s32 $0xFFFFF800  }
0xfc: {  	v10 =	vld [tilespmem:s31+$0xFFFFFFC0]  }
0xfd: {  	v11 =	vld [tilespmem:s31+$0xFFFFFFD0]  }
0xfe: {  	v12 =	vld [tilespmem:s31+$0xFFFFFFE0]  }
0xff: {  	v8 =	vld [tilespmem:s31+$0xFFFFFFF0]  }
0x100: {  	v13 =	vimm.f32 $+Inf;
	v9 =	vld [tilespmem:s31+$0x0]  }
0x101: {  	v13 =	vmin.f32 v13, v10;
	v10 =	vld [tilespmem:s31+$0x10]  }
0x102: {  	v13 =	vmin.f32 v13, v11;
	v11 =	vld [tilespmem:s31+$0x20]  }
0x103: {  	s23 =	simm.s32 $0x28C0;
	s22 =	simm.s32 $0x0;
	v13 =	vmin.f32 v13, v12;
	v12 =	vld [tilespmem:s31+$0x30]  }
.LBB2_15:
0x104: {  	v14 =	vld [tilespmem:s23+$0xFFFFFFC0];
	s22 =	sadd.s32 $0x8, s22;
	v8 =	vmin.f32 v13, v8  }
0x105: {  	v13 =	vld [tilespmem:s23+$0xFFFFFFD0];
	p0 =	slt.u32 s22, $0x78;
	v8 =	vmin.f32 v8, v9  }
0x106: {  	v15 =	vld [tilespmem:s23+$0xFFFFFFE0];
	v9 =	vmin.f32 v8, v10  }
.Ltmp11:
0x107: {  	v8 =	vld [tilespmem:s23+$0xFFFFFFF0];
	v10 =	vmin.f32 v9, v11;
	(pc) =	sbr.rel @p0 .LBB2_15-.Ltmp11, $4  }
0x108: {  	v9 =	vld [tilespmem:s23+$0x0];
	v10 =	vmin.f32 v10, v12  }
0x109: {  	v11 =	vmin.f32 v10, v14;
	v10 =	vld [tilespmem:s23+$0x10]  }
0x10a: {  	v12 =	vmin.f32 v11, v13;
	v11 =	vld [tilespmem:s23+$0x20]  }
0x10b: {  	v13 =	vmin.f32 v12, v15;
	v12 =	vld [tilespmem:s23+$0x30];
	s23 =	sadd.s32 $0x80, s23  }
0x10c: {  	v8 =	vmin.f32 v13, v8  }
0x10d: {  	v8 =	vmin.f32 v8, v9  }
0x10e: {  	v8 =	vmin.f32 v8, v10  }
0x10f: {  	v8 =	vmin.f32 v8, v11  }
0x110: {  	v8 =	vmin.f32 v8, v12  }
0x111: {  	(xrf0) =	vmax.scan.msk.f32 $0xffff, v8;
	_ =	sdelay $0x5  }
0x112: {  	v8, _, _ =	vpop (xrf0)  }
0x113: {  	s22 =	simm.s32 $0xFFFFFFFC;
	s23 =	simm.s32 $0x0;
	s24 =	simm.s32 $0x2820;
	v9 =	vbroadcast v8, $0xF;
	v8 =	vimm.s32 $0x0  }
.LBB2_17:
0x114: {  	v10 =	vld [tilespmem:s24+$0xFFFFFFE0];
	_ =	sdelay $0x4  }
0x115: {  	vm0 =	vle.f32 v10, v9  }
0x116: {  	v10 =	vsel vm0, $0x1, v2  }
0x117: {  	(xrf0) =	vadd.scan.msk.s32 $0xffff, v10;
	_ =	sdelay $0x5  }
0x118: {  	v10, _, _ =	vpop (xrf0)  }
0x119: {  	v10 =	vadd.s32 v10, v8  }
0x11a: {  	v10 =	vadd.s32 $0xFFFFFFFF, v10;
	_ =	sdelay $0x3  }
0x11b: {  	v11 =	vor.u32 s23, v0  }
0x11c: {  	[tilespmem:v10+s16+$0x0] =	vst.idx.msk vm0, v11  }
0x11d: {  	v10 =	vld [tilespmem:s24+$0xFFFFFFF0];
	_ =	sdelay $0x4  }
0x11e: {  	vm1 =	vle.f32 v10, v9  }
0x11f: {  	v10 =	vsel vm1, $0x1, v2  }
0x120: {  	(xrf0) =	vadd.scan.msk.s32 $0xffff, v10;
	_ =	sdelay $0x1  }
0x121: {  	v10 =	vmpcnt.ones.xlane vm0;
	_ =	sdelay $0x3  }
0x122: {  	v8 =	vadd.s32 v8, v10;
	v10, _, _ =	vpop (xrf0)  }
0x123: {  	v10 =	vadd.s32 v10, v8  }
0x124: {  	v10 =	vadd.s32 $0xFFFFFFFF, v10;
	_ =	sdelay $0x2  }
0x125: {  	s25 =	sadd.s32 $0x10, s23  }
0x126: {  	v11 =	vor.u32 s25, v0  }
0x127: {  	[tilespmem:v10+s16+$0x0] =	vst.idx.msk vm1, v11  }
0x128: {  	v10 =	vld [tilespmem:s24+$0x0];
	_ =	sdelay $0x4  }
0x129: {  	vm14 =	vle.f32 v10, v9  }
0x12a: {  	v10 =	vsel vm14, $0x1, v2  }
0x12b: {  	(xrf0) =	vadd.scan.msk.s32 $0xffff, v10;
	_ =	sdelay $0x1  }
0x12c: {  	v10 =	vmpcnt.ones.xlane vm1;
	_ =	sdelay $0x3  }
0x12d: {  	v8 =	vadd.s32 v8, v10;
	v10, _, _ =	vpop (xrf0)  }
0x12e: {  	v10 =	vadd.s32 v10, v8  }
0x12f: {  	v10 =	vadd.s32 $0xFFFFFFFF, v10;
	_ =	sdelay $0x2  }
0x130: {  	s30 =	sadd.s32 $0x20, s23  }
0x131: {  	v11 =	vor.u32 s30, v0  }
0x132: {  	[tilespmem:v10+s16+$0x0] =	vst.idx.msk vm14, v11  }
0x133: {  	v10 =	vld [tilespmem:s24+$0x10];
	_ =	sdelay $0x4  }
0x134: {  	vm15 =	vle.f32 v10, v9  }
0x135: {  	v10 =	vsel vm15, $0x1, v2  }
0x136: {  	(xrf0) =	vadd.scan.msk.s32 $0xffff, v10;
	_ =	sdelay $0x1  }
0x137: {  	v10 =	vmpcnt.ones.xlane vm14;
	_ =	sdelay $0x3  }
0x138: {  	v8 =	vadd.s32 v8, v10;
	v10, _, _ =	vpop (xrf0)  }
0x139: {  	s22 =	sadd.s32 $0x4, s22;
	v10 =	vadd.s32 v10, v8  }
0x13a: {  	p0 =	slt.u32 s22, $0x7C;
	v10 =	vadd.s32 $0xFFFFFFFF, v10  }
.Ltmp12:
0x13b: {  	_ = 	snop;
	(pc) =	sbr.rel @p0 .LBB2_17-.Ltmp12, $4  }
0x13c: {  	_ = 	snop  }
0x13d: {  	s31 =	sadd.s32 $0x30, s23;
	v11 =	vmpcnt.ones.xlane vm15  }
0x13e: {  	v12 =	vor.u32 s31, v0  }
0x13f: {  	s23 =	sadd.s32 $0x40, s23;
	s24 =	sadd.s32 $0x40, s24;
	v8 =	vadd.s32 v8, v11;
	[tilespmem:v10+s16+$0x0] =	vst.idx.msk vm15, v12  }
0x140: {  	v9 =	vxor.u32 $0x80000000, v8  }
0x141: {  	(xrf0) =	vmax.scan.msk.u32 $0xffff, v9;
	_ =	sdelay $0x5  }
0x142: {  	v9, _, _ =	vpop (xrf0)  }
0x143: {  	(v2sf) =	vpush v9, $0xF;
	_ =	sdelay $0xe  }
0x144: {  	s22 =	spop (v2sf)  }
0x145: {  	s22 =	sadd.s32 $0x8000000F, s22  }
0x146: {  	s23 =	sand.u32 $0xF, s22  }
0x147: {  	s31 =	sshra.s32 s22, $0x1F;
	p1 =	slt.s32 s22, $0x1;
	p0 =	sne.s32 s23, $0x0  }
0x148: {  	s23 =	sshrl.u32 s31, $0x1C;
	p0 =	por !p1, !p0  }
0x149: {  	s22 =	sadd.s32 s23, s22;
	s23 =	simm.s32 $0x1;
	p0 =	por !p0, !p0  }
0x14a: {  	s22 =	sshra.s32 s22, $0x4;
	s23 =	simm.s32 @!p0 $0x0  }
0x14b: {  	s23 =	ssub.s32 s22, s23  }
0x14c: {  	p0 =	slt.s32 s23, $0x1  }
.Ltmp13:
0x14d: {  	_ = 	snop;
	(pc) =	sbr.rel @p0 .LBB2_26-.Ltmp13, $2  }
0x14e: {  	_ =	sdelay $0x2  }
0x14f: {  	v9 =	vimm.s32 $0x0  }
0x150: {  	p2 =	sne.s32 s23, $0x1  }
.Ltmp14:
0x151: {  	_ = 	snop;
	(pc) =	sbr.rel @!p2 .LBB2_20-.Ltmp14, $3  }
0x152: {  	_ =	sdelay $0x1  }
0x153: {  	s24 =	simm.s32 $0x3000;
	s22 =	simm.s32 $0x0  }
0x154: {  	v10 =	vimm.f32 $+Inf;
	s23 =	sadd.s32 $0xFFFFFFFF, s23;
	p0 =	por $0x0, $0x0;
	p1 =	por $0x0, $0x0;
	v11 =	vld [tilespmem:s24+$0x0]  }
0x155: {  	_ = 	snop  }
0x156: {  	v12 =	vor.u32 s22, v0  }
0x157: {  	vm0 =	vlt.s32 v12, v8;
	_ =	sdelay $0x5  }
0x158: {  	v12 =	vld.idx.msk [tilespmem:v11+s14+$0x0], vm0;
	_ =	sdelay $0x4  }
0x159: {  	p2 =	sne.s32 s23, $0x1;
	v12 =	vnsel vm0, $0x7F800000, v12  }
.Ltmp15:
0x15a: {  	(xrf1) =	vsort.ascd.msk.f32 $0xffff, v12, v11;
	(pc) =	sbr.rel @!p2 .LBB2_22-.Ltmp15, $3  }
0x15b: {  	_ =	sdelay $0x1  }
0x15c: {  	s31 =	simm.s32 $0x3010  }
0x15d: {  	s24 =	sadd.s32 $0xFFFFFFFF, s23;
	s22 =	simm.s32 $0x10;
	p0 =	por $0x1, $0x1;
	v11 =	vld [tilespmem:s31+$0x0]  }
0x15e: {  	_ = 	snop  }
0x15f: {  	v12 =	vor.u32 s22, v0  }
0x160: {  	vm0 =	vlt.s32 v12, v8;
	_ =	sdelay $0x5  }
0x161: {  	v12 =	vld.idx.msk [tilespmem:v11+s14+$0x0], vm0;
	_ =	sdelay $0x1  }
0x162: {  	v13, v14, _ =	vpop (xrf1)  }
0x163: {  	v13 =	vperm.xlane v13, v3  }
0x164: {  	v14 =	vperm.xlane v14, v3  }
0x165: {  	p2 =	sne.s32 s24, $0x1;
	v12 =	vnsel vm0, $0x7F800000, v12;
	vm15 =	vle.f32 v10, v13  }
.Ltmp16:
0x166: {  	(xrf1) =	vsort.ascd.msk.f32 $0xffff, v12, v11;
	v62 =	vsel vm15, v10, v13;
	v63 =	vsel vm15, v9, v14;
	(pc) =	sbr.rel @!p2 .LBB2_25-.Ltmp16, $3  }
0x167: {  	(xrf1) =	vsort.ascd.msk.f32 $0xffff, v62, v63;
	_ =	sdelay $0x1  }
0x168: {  	s23 =	simm.s32 $0x3020  }
0x169: {  	s24 =	sadd.s32 $0xFFFFFFFF, s24;
	s22 =	simm.s32 $0x20;
	p1 =	por $0x1, $0x1;
	v11 =	vld [tilespmem:s23+$0x0]  }
.LBB2_24:
0x16a: {  	p2 =	sne.s32 s24, $0x1;
	v12 =	vor.u32 s22, v0  }
0x16b: {  	vm0 =	vlt.s32 v12, v8;
	_ =	sdelay $0x5  }
0x16c: {  	v12 =	vld.idx.msk [tilespmem:v11+s14+$0x0], vm0;
	_ =	sdelay $0x3  }
0x16d: {  	v13, v14, _ =	vpop (xrf1)  }
.Ltmp17:
0x16e: {  	v13 =	vperm.xlane v13, v3;
	(pc) =	sbr.rel @p2 .LBB2_24-.Ltmp17, $4  }
0x16f: {  	v12 =	vnsel vm0, $0x7F800000, v12;
	v14 =	vperm.xlane v14, v3;
	v15, v16, _ =	vpop (xrf1)  }
0x170: {  	(xrf1) =	vsort.ascd.msk.f32 $0xffff, v12, v11;
	vm0 =	vle.f32 v15, v13  }
0x171: {  	s23 =	sadd.s32 $0x10, s23;
	v12 =	vsel vm0, v15, v13;
	v13 =	vsel vm0, v16, v14  }
0x172: {  	s24 =	sadd.s32 $0xFFFFFFFF, s24;
	s22 =	sadd.s32 $0x10, s22;
	v11 =	vld [tilespmem:s23+$0x0];
	(xrf1) =	vsort.ascd.msk.f32 $0xffff, v12, v13  }
.Ltmp18:
0x173: {  	_ = 	snop;
	(pc) =	sbr.rel .LBB2_25-.Ltmp18, $1  }
0x174: {  	_ =	sdelay $0x3  }
.LBB2_8:
.Ltmp19:
0x175: {  	(pc) =	sbr.rel .LBB2_13-.Ltmp19, $2  }
0x176: {  	_ =	sdelay $0x2  }
0x177: {  	_ = 	snop  }
.LBB2_10:
.Ltmp20:
0x178: {  	(pc) =	sbr.rel .LBB2_13-.Ltmp20, $2  }
0x179: {  	_ =	sdelay $0x2  }
0x17a: {  	_ = 	snop  }
.LBB2_22:
.Ltmp21:
0x17b: {  	(pc) =	sbr.rel .LBB2_25-.Ltmp21, $2  }
0x17c: {  	_ =	sdelay $0x2  }
0x17d: {  	_ = 	snop  }
.LBB2_28:
0x17e: {  	_ =	sfence.sel $0x180000  }
0x17f: {  	[bflag:$0x0] =	sbarrier.arrive $0xFFFF  }
0x180: {  	p0 =	sne.s32 s2, $0x0;
	_ =	strace $0x90000047  }
0x181: {  	s0 =	sadd.s32 @!p0 $0x100000, s0;
	[bflag:$0x2] =	sbarrier.arrive $0xFFFF  }
0x182: {  	[sflag:s0] =	ssyncadd.tile.s32 @!p0 $0x1;
	_ =	shalt  }
.Lfunc_end2:
_tile_overlayer_lowered:
.L_overlay_start_2:
0x183: {  	(tag) =	ssettag $0x2  }
0x184: {  	s0 =	rddreg [dreg:$0x0];
	s2 =	stileid.u32  }
0x185: {  	s1 =	rddreg [dreg:$0x1];
	p0 =	sne.s32 s2, $0x0  }
0x186: {  	s3 =	rddreg [dreg:$0x2];
	[bflag:$0x3] =	sbarrier.arrive $0xFFFF;
	s2 =	simm.s32 @!p0 $0x1C04  }
0x187: {  	[timem:s3], [sflag:s2] =	dma.local @!p0 [hbm:s0], s1  }
0x188: {  	s0 =	simm.s32 @!p0 $0x4  }
0x189: {  	_ =	swait.ge @!p0 [sflag:s0], s1  }
0x18a: {  	s1 =	ssub.s32 @!p0 $0x0, s1;
	[sflag:s0] =	ssyncset.done @!p0 $0x0  }
0x18b: {  	[sflag:s0] =	ssyncadd.s32 @!p0 s1  }
0x18c: {  	[bflag:$0x3] =	sbarrier.arrive $0xFFFF  }
0x18d: {  	_ =	shalt  }

// kernel: sparse-core-data-format-call.cloned.1.call-start
scs
called_computation_lowered:
.L_overlay_start_0:
0x0: {  	s2 =	sld [smem:$0x3FD9]  }
0x1: {  	s3 =	sld [smem:$0x3FFE];
	_ =	sdelay $0x1  }
0x2: {  	s1 =	srdreg.scid  }
0x3: {  	s0 =	sand.u32 $0x1, s1  }
0x4: {  	s18 =	sshll.u32 s0, $0xA;
	s2 =	sadd.s32 s3, s2  }
0x5: {  	s2 =	sadd.s32 s2, s18  }
0x6: {  	[smem:$0x3FC2] =	sst s2  }
0x7: {  	_ = 	snop  }
0x8: {  	s2 =	sld [smem:$0x3FD0];
	(tm) =	ssettm $0x1  }
0x9: {  	s19 =	sld [smem:$0x3FFB];
	_ =	sdelay $0x3  }
0xa: {  	_ =	strace s19  }
0xb: {  	s3 =	sld [smem:$0x3FFC];
	_ =	sdelay $0x3  }
0xc: {  	_ =	strace s3  }
0xd: {  	s3 =	sld [smem:$0x3FFD];
	_ =	sdelay $0x3  }
0xe: {  	_ =	strace s3  }
0xf: {  	_ =	strace $0x8FFFFFFF  }
0x10: {  	s20 =	sld [smem:$0x3FDB];
	_ =	sdelay $0x1  }
0x11: {  	s4 =	simm.s32 $_scs_section_size  }
0x12: {  	s5 =	simm.s32 $_size__tile_overlayer_lowered;
	s6 =	simm.s32 $_tile_overlayer_lowered  }
0x13: {  	s23 =	simm.s32 $0x1BFF;
	s22 =	sshll.u32 s6, $0x1;
	s3 =	sadd.s32 s4, s20  }
0x14: {  	s7 =	simm.s32 $0x0;
	s21 =	sshll.u32 s5, $0x1;
	s5 =	sadd.s32 s22, s3  }
0x15: {  	[timem:s7], [sflag:s23] =	dma.local [hbm:s5], s21  }
0x16: {  	_ =	swait.ge [sflag:s23], s21  }
0x17: {  	s4 =	ssub.s32 $0x0, s21;
	[sflag:s23] =	ssyncset.done $0x0  }
0x18: {  	[sflag:s23] =	ssyncadd.s32 s4;
	_ =	sdelay $0x1  }
0x19: {  	s24 =	simm.s32 $0x1B8B  }
0x1a: {  	_ =	swait.ge [sflag:s24], $0x1  }
0x1b: {  	[sflag:s24] =	ssyncset.done $0x0  }
0x1c: {  	s26 =	simm.s32 $0x1B8E;
	s25 =	sld [smem:$0x3FFE];
	[sflag:s24] =	ssyncadd.s32 $0xFFFFFFFF  }
0x1d: {  	s27 =	simm.s32 $execute0_lowered;
	[smem:$0x3FD2] =	sst s26  }
0x1e: {  	s5 =	sshll.u32 s27, $0x1;
	_ =	strace $0x80000049;
	[dreg:$0x1] =	wrdreg $0xFFFFFFFF  }
0x1f: {  	s28 =	simm.s32 $_size_execute0_lowered;
	s3 =	sadd.s32 s3, s5;
	[dreg:$0x0] =	wrdreg $0x0  }
0x20: {  	s5 =	sshll.u32 s28, $0x1;
	[dreg:$0x2] =	wrdreg s3  }
0x21: {  	[dreg:$0x3] =	wrdreg s5  }
0x22: {  	[dreg:$0x4] =	wrdreg $0xC0  }
0x23: {  	_ =	task [dreg:s7], $0x5FFFF  }
0x24: {  	[dreg:$0x1] =	wrdreg $0xFFFFFFFF  }
0x25: {  	[dreg:$0x0] =	wrdreg $0x60  }
0x26: {  	[dreg:$0x2] =	wrdreg s25  }
0x27: {  	[dreg:$0x3] =	wrdreg s2  }
0x28: {  	[dreg:$0x4] =	wrdreg $0x9  }
0x29: {  	_ =	task.clear_ibuf [dreg:s7], $0x5FFFF;
	_ =	strace $0x90000049  }
0x2a: {  	s29 =	simm.s32 $0x9;
	_ =	strace $0x8000004B  }
0x2b: {  	_ =	swait.ge [sflag:s29], $0x1  }
0x2c: {  	[sflag:s29] =	ssyncadd.s32 $0xFFFFFFFF  }
0x2d: {  	_ =	strace $0x9000004B  }
0x2e: {  	_ =	sfence  }
0x2f: {  	s30 =	sld [smem:$0x0];
	_ =	sdelay $0x2  }
0x30: {  	s31 =	sshll.u32 s1, $0xD;
	s1 =	sshrl.u32 s1, $0x2  }
0x31: {  	s3 =	sand.u32 $0x4000, s31;
	s1 =	sadd.s32 s1, s30  }
0x32: {  	s0 =	sor.u32 s3, s0;
	s1 =	sshll.u32 s1, $0x11  }
0x33: {  	s0 =	sor.u32 s1, s0  }
0x34: {  	s0 =	sadd.s32 $0x8F2B, s0  }
0x35: {  	[sflag:s0] =	ssyncadd.remote.s32 $0x1  }
0x36: {  	_ =	sfence.sel $0xFFFF  }
0x37: {  	[dreg:$0x0] =	wrdreg $0xFFFFFFFF;
	(pc) =	sbr.abs _section_cstart, $3  }
0x38: {  	[dreg:$0x1] =	wrdreg $0xFFFFFFFF  }
0x39: {  	_ =	task.clear_ibuf [dreg:s7], $0x2FFFF;
	_ =	strace $0x9FFFFFFF  }
0x3a: {  	(tm) =	ssettm $0x7FFFFFFF  }
0x3b: {  	_ =	shalt  }
tec
execute0_lowered:
.L_overlay_start_1:
0x0: {  	(tag) =	ssettag $0x1  }
0x1: {  	s1 =	srdreg.scid;
	s8 =	rddreg [dreg:$0x0]  }
0x2: {  	s0 =	stileid.u32;
	s3 =	rddreg [dreg:$0x1];
	s1 =	sshll.u32 s1, $0x4  }
0x3: {  	s7 =	simm.s32 $0x0;
	s5 =	simm.s32 $0x1;
	s1 =	sor.u32 s0, s1  }
0x4: {  	s9 =	simm.s32 $0x2;
	s15 =	simm.s32 $0x0;
	s1 =	sshrl.u32 s1, $0x1  }
0x5: {  	s10 =	simm.s32 $0x4000;
	s16 =	simm.s32 $0x0;
	s2 =	sand.u32 $0xE, s1  }
0x6: {  	s17 =	simm.s32 $0x0;
	s11 =	simm.s32 $0x0;
	s6 =	ssub.s32 $0x10, s2  }
0x7: {  	s14 =	simm.s32 $0x0;
	s1 =	rddreg [dreg:$0x2];
	s4 =	sand.u32 $0xE, s6  }
.Ltmp0:
0x8: {  	_ =	strace $0x8000004A;
	p0 =	seq.s32 s4, $0x0;
	(pc) =	sbr.rel .LBB1_1-.Ltmp0, $4  }
0x9: {  	[sflag:s5] =	ssyncpa.u1 $0x0;
	s12 =	smov.u32 s2;
	s7 =	simm.s32 @!p0 $0x10  }
0xa: {  	[sflag:s9] =	ssyncpa.u1 $0x0;
	s4 =	sadd.s32 $0x1400, s8;
	s7 =	sadd.s32 s6, s7  }
0xb: {  	s8 =	sadd.s32 $0x9400, s8;
	s6 =	sand.u32 $0x3, s0;
	s7 =	sand.u32 $0x30, s7  }
0xc: {  	p0 =	por $0x0, $0x0;
	s13 =	smov.u32 s6;
	s9 =	sor.u32 $0x1, s7  }
.LBB1_7:
0xd: {  	s18 =	sadd.s32 $0x80, s11  }
0xe: {  	s15 =	sadd.s32 $0x10, s12;
	s19 =	smov.u32 s12;
	p2 =	sgt.s32 s18, $0x7FF  }
0xf: {  	s19 =	smov.u32 @p2 s15  }
0x10: {  	s21 =	smov.u32 s13;
	s15 =	sadd.s32 $0x4, s13;
	p3 =	sgt.s32 s19, $0xF  }
0x11: {  	s21 =	smov.u32 @p3 s15  }
0x12: {  	s18 =	simm.s32 @p2 $0x0;
	p2 =	sgt.s32 s21, $0x3  }
0x13: {  	p1 =	slt.u32 s14, $0x2;
	s21 =	smov.u32 @p2 s6;
	p2 =	sne.s32 s14, s9  }
.Ltmp1:
0x14: {  	s20 =	simm.s32 @!p1 $0x2;
	(pc) =	sbr.rel @!p2 .LBB1_8-.Ltmp1, $4  }
0x15: {  	s16 =	smov.u32 s12;
	s17 =	smov.u32 s13;
	_ =	swait.ge @!p1 [sflag:s20], $0x4000  }
0x16: {  	p0 =	por !p0, !p0;
	[sflag:s20] =	ssyncset.done @!p1 $0x0;
	s19 =	smov.u32 @p3 s2  }
0x17: {  	s15 =	smov.u32 s11;
	[sflag:s20] =	ssyncadd.s32 @!p1 $0xFFFFC000;
	s11 =	smov.u32 s18  }
0x18: {  	s12 =	smov.u32 s19;
	s14 =	sadd.s32 $0x1, s14;
	s13 =	smov.u32 s21  }
.LBB1_1:
0x19: {  	p1 =	sge.u32 s14, s7  }
0x1a: {  	s18 =	sxor.u32 @!p1 $0xFFFFFFFF, s14;
	s19 =	sshll.u32 @!p1 s13, $0x13  }
0x1b: {  	s20 =	sshll.u32 @!p1 s12, $0xF;
	s22 =	sshll.u32 @!p1 s11, $0x4;
	s23 =	simm.s32 @!p1 $0x40  }
0x1c: {  	s24 =	simm.s32 @!p1 $0x80;
	s18 =	sshll.u32 @!p1 s18, $0xE;
	s21 =	sadd.s32 @!p1 s19, s20  }
0x1d: {  	s22 =	sand.u32 @!p1 $0x7FF0, s22;
	s19 =	sadd.s32 @!p1 s19, s8;
	s21 =	sadd.s32 @!p1 s4, s21  }
0x1e: {  	s18 =	sand.u32 @!p1 $0x4000, s18;
	s19 =	sadd.s32 @!p1 s20, s19;
	s21 =	sadd.s32 @!p1 s22, s21  }
0x1f: {  	[tilespmem:s18], [sflag:$0x1] =	stream.strided.gather @!p1 [hbm4b:s21+s23], $0x2000, s24, s23, $0x38;
	[tilespmem:$0x10100] =	vst v63  }
0x20: {  	s31 =	sadd.s32 $0xFFFFFFFF, s14;
	s19 =	sadd.s32 @!p1 s22, s19;
	s18 =	sor.u32 @!p1 $0x2000, s18  }
0x21: {  	[tilespmem:s18], [sflag:$0x1] =	stream.strided.gather @!p1 [hbm4b:s19+s23], $0x2000, s24, s23, $0x38;
	[tilespmem:$0x10100] =	vst v63  }
0x22: {  	p1 =	sge.u32 s31, s7  }
.Ltmp2:
0x23: {  	_ = 	snop;
	(pc) =	sbr.rel @p1 .LBB1_7-.Ltmp2, $1  }
0x24: {  	_ =	sdelay $0x3  }
0x25: {  	s18 =	simm.s32 $0x1;
	s20 =	sand.u32 $0x1, s14  }
0x26: {  	_ =	swait.ge [sflag:s5], $0x4000;
	s18 =	simm.s32 @!p0 $0x0;
	s20 =	smul.u32 $0x10200, s20  }
0x27: {  	p2 =	por $0x1, $0x1;
	[sflag:s5] =	ssyncset.done $0x0;
	s19 =	smul.u32 $0x10200, s18  }
0x28: {  	s21 =	sshll.u32 s18, $0x10;
	[sflag:s5] =	ssyncadd.s32 $0xFFFFC000;
	s30 =	sshrl.u32 s20, $0x2  }
0x29: {  	s31 =	sshrl.u32 s21, $0x2;
	s21 =	simm.s32 $0x0;
	s19 =	sshrl.u32 s19, $0x2  }
0x2a: {  	s18 =	sor.u32 $0x8000, s30;
	s20 =	sadd.s32 $0x20, s31;
	s19 =	sor.u32 $0x8000, s19  }
.LBB1_3:
0x2b: {  	s22 =	sshll.u32 s21, $0xD  }
0x2c: {  	s22 =	sand.u32 $0x3FFFE000, s22  }
0x2d: {  	s24 =	sadd.s32 s22, s20  }
0x2e: {  	s31 =	smul.u32 $0x8100, s21;
	v3 =	vld [tilespmem:s24+$0x10]  }
0x2f: {  	v1 =	vld [tilespmem:s24+$0xFFFFFFF0]  }
0x30: {  	s21 =	sshra.s32 s31, $0x2;
	v0 =	vld [tilespmem:s24+$0x0]  }
0x31: {  	s21 =	sadd.s32 s21, s19;
	v2 =	vld [tilespmem:s24+$0xFFFFFFE0]  }
0x32: {  	s22 =	sadd.s32 $0x0, s21  }
0x33: {  	p1 =	por p2, p2;
	s23 =	simm.s32 $0x4;
	s24 =	sadd.s32 $0x40, s24;
	[tilespmem:s22+$0x1830 ss:$0x81] =	vst.msk $0xffff, v3  }
.LBB1_4:
0x34: {  	v3 =	vld [tilespmem:s24+$0x10];
	p2 =	sne.s32 s23, $0x1FC;
	[tilespmem:s22+$0x810 ss:$0x81] =	vst.msk $0xffff, v1;
	s25 =	smov.u32 s23;
	s23 =	sadd.s32 $0x4, s23  }
.Ltmp3:
0x35: {  	v1 =	vld [tilespmem:s24+$0xFFFFFFF0];
	[tilespmem:s22+$0x1020 ss:$0x81] =	vst.msk $0xffff, v0;
	(pc) =	sbr.rel @p2 .LBB1_4-.Ltmp3, $4  }
0x36: {  	v0 =	vld [tilespmem:s24+$0x0];
	[tilespmem:s22+$0x0 ss:$0x81] =	vst.msk $0xffff, v2  }
0x37: {  	s22 =	sshra.s32 s25, $0x2;
	v2 =	vld [tilespmem:s24+$0xFFFFFFE0]  }
0x38: {  	s22 =	sadd.s32 s22, s21  }
0x39: {  	s24 =	sadd.s32 $0x40, s24;
	[tilespmem:s22+$0x1830 ss:$0x81] =	vst.msk $0xffff, v3  }
.Ltmp4:
0x3a: {  	(pc) =	sbr.rel @p1 .LBB1_3-.Ltmp4, $4  }
0x3b: {  	_ = 	snop  }
0x3c: {  	[tilespmem:s22+$0x810 ss:$0x81] =	vst.msk $0xffff, v1  }
0x3d: {  	[tilespmem:s22+$0x1020 ss:$0x81] =	vst.msk $0xffff, v0  }
0x3e: {  	s21 =	simm.s32 $0x1;
	p2 =	por $0x0, $0x0;
	[tilespmem:s22+$0x0 ss:$0x81] =	vst.msk $0xffff, v2  }
0x3f: {  	s19 =	sshll.u32 s15, $0x3;
	s20 =	sand.u32 $0x78, s15  }
0x40: {  	s17 =	sshll.u32 s17, $0x12;
	s16 =	sshll.u32 s16, $0xE;
	s29 =	sand.u32 $0x3F00, s15  }
.Ltmp5:
0x41: {  	s19 =	sand.u32 $0x400, s19;
	s17 =	sadd.s32 s3, s17;
	(pc) =	sbr.rel .LBB1_7-.Ltmp5, $4  }
0x42: {  	s30 =	sand.u32 $0x7, s15;
	s19 =	sor.u32 s20, s19;
	s16 =	sadd.s32 s16, s17  }
0x43: {  	s15 =	sshll.u32 s30, $0x12;
	s31 =	sshrl.u32 s19, $0x3;
	s16 =	sadd.s32 s29, s16  }
0x44: {  	s15 =	sor.u32 $0x400, s15;
	s16 =	sadd.s32 s31, s16  }
0x45: {  	[hbm4b:s16+s15] =	stream.strided.scatter [tilespmem:s18], [sflag:$0x2], $0x4000, s10, s15, $0x20;
	[tilespmem:$0x10100] =	vst v63  }
.LBB1_8:
0x46: {  	_ =	sfence.sel $0x180000  }
0x47: {  	s2 =	simm.s32 $0x1;
	[bflag:$0x0] =	sbarrier.arrive $0xFFFF  }
0x48: {  	s31 =	simm.s32 $0x2;
	[sflag:s2] =	ssyncpa.u1 $0x1  }
0x49: {  	[sflag:s31] =	ssyncpa.u1 $0x1  }
0x4a: {  	p0 =	sne.s32 s0, $0x0;
	_ =	strace $0x9000004A  }
0x4b: {  	s0 =	sadd.s32 @!p0 $0x100000, s1;
	[bflag:$0x2] =	sbarrier.arrive $0xFFFF  }
0x4c: {  	[sflag:s0] =	ssyncadd.tile.s32 @!p0 $0x1;
	_ =	shalt  }
.Lfunc_end1:
_tile_overlayer_lowered:
.L_overlay_start_2:
0x4d: {  	(tag) =	ssettag $0x2  }
0x4e: {  	s0 =	rddreg [dreg:$0x0];
	s2 =	stileid.u32  }
0x4f: {  	s1 =	rddreg [dreg:$0x1];
	p0 =	sne.s32 s2, $0x0  }
0x50: {  	s3 =	rddreg [dreg:$0x2];
	[bflag:$0x3] =	sbarrier.arrive $0xFFFF;
	s2 =	simm.s32 @!p0 $0x1C01  }
0x51: {  	[timem:s3], [sflag:s2] =	dma.local @!p0 [hbm:s0], s1  }
0x52: {  	s0 =	simm.s32 @!p0 $0x1  }
0x53: {  	_ =	swait.ge @!p0 [sflag:s0], s1  }
0x54: {  	s1 =	ssub.s32 @!p0 $0x0, s1;
	[sflag:s0] =	ssyncset.done @!p0 $0x0  }
0x55: {  	[sflag:s0] =	ssyncadd.s32 @!p0 s1  }
0x56: {  	[bflag:$0x3] =	sbarrier.arrive $0xFFFF  }
0x57: {  	_ =	shalt  }

</sc_bundles>
